<compile_context>
chip_gen: v7x
topology: tpu7x:2x2x1
jax: 0.10.2.dev20260603
libtpu: 0.0.44.dev20260713+nightly
codegen_flags: <defaults>
</compile_context>

<pallas_src>
import functools
import jax
import jax.numpy as jnp
from jax import lax
from jax.experimental import pallas as pl
from jax.experimental.pallas import tpu as pltpu
from jax.experimental.pallas import tpu_sc as plsc

_C = 26
_D = 100000
_F = 32
_B = 4096
_NW = 32
_BPW = _B // _NW
_RB = _BPW // 16


def _sc_body(cond_t, table, out, t_v, idx0_v, idx1_v, w_v, v0_b, v1_b,
             out_v, sem0, sem1):
    cid = lax.axis_index("c")
    sid = lax.axis_index("s")
    wid = sid * 2 + cid
    base = wid * _BPW

    def dim_body(i, _):
        pltpu.sync_copy(cond_t.at[i, pl.ds(base, _BPW)], t_v)
        for j in range(_RB):
            t = t_v[pl.ds(j * 16, 16)]
            ts = t * float(_D - 1)
            i0 = ts.astype(jnp.int32)
            w = ts - i0.astype(jnp.float32)
            idx0_v[pl.ds(j * 16, 16)] = i0
            idx1_v[pl.ds(j * 16, 16)] = i0 + 1
            w_v[pl.ds(j * 16, 16)] = w
        cp0 = pltpu.async_copy(table.at[i].at[idx0_v], v0_b, sem0)
        cp1 = pltpu.async_copy(table.at[i].at[idx1_v], v1_b, sem1)
        cp0.wait()
        cp1.wait()

        def blk_body(rb, _):
            wv16 = w_v[pl.ds(rb * 16, 16)]
            base_r = rb * 16
            for l in range(16):
                wv = jnp.full((16,), wv16[l], jnp.float32)
                r = base_r + l
                for h in range(_F // 16):
                    a = v0_b[r, pl.ds(h * 16, 16)]
                    b = v1_b[r, pl.ds(h * 16, 16)]
                    out_v[r, pl.ds(h * 16, 16)] = a + wv * (b - a)
            return 0

        lax.fori_loop(0, _RB, blk_body, 0)
        pltpu.sync_copy(out_v, out.at[pl.ds(base, _BPW), pl.ds(i * _F, _F)])
        return 0

    lax.fori_loop(0, _C, dim_body, 0)


_sc_kernel = functools.partial(
    pl.kernel,
    out_type=jax.ShapeDtypeStruct((_B, _C * _F), jnp.float32),
    mesh=plsc.VectorSubcoreMesh(core_axis_name="c", subcore_axis_name="s"),
    compiler_params=pltpu.CompilerParams(use_tc_tiling_on_sc=False),
    scratch_types=[
        pltpu.VMEM((_BPW,), jnp.float32),
        pltpu.VMEM((_BPW,), jnp.int32),
        pltpu.VMEM((_BPW,), jnp.int32),
        pltpu.VMEM((_BPW,), jnp.float32),
        pltpu.VMEM((_BPW, _F), jnp.float32),
        pltpu.VMEM((_BPW, _F), jnp.float32),
        pltpu.VMEM((_BPW, _F), jnp.float32),
        pltpu.SemaphoreType.DMA,
        pltpu.SemaphoreType.DMA,
    ],
)(_sc_body)


@jax.jit
def kernel(cond, lines):
    cond_t = cond.T
    return _sc_kernel(cond_t, lines)

# --- scband reference (transcript-rebuilt; emitter-appended) ---
"""Pipeline reference for scband-cond-latent-lines-20624432955493 (READ-ONLY COPY).

The authoritative reference and input builder live on the scoring server;
editing this copy changes nothing except your own understanding.
"""

import jax, jax.numpy as jnp
import numpy as np

COND_DIM = 26
LINE_DIM = 100000
FEAT = 32
BATCH = 4096


def setup_inputs(seed: int = 0) -> dict:
    key = jax.random.key(seed)
    k1, k2 = jax.random.split(key)
    cond = jax.random.uniform(k1, (BATCH, COND_DIM), dtype=jnp.float32)
    # Learned latent lines: cond_dim lines, each (D, F), init uniform(-0.001, 0.001)
    lines = jax.random.uniform(k2, (COND_DIM, LINE_DIM, FEAT), dtype=jnp.float32,
                               minval=-0.001, maxval=0.001)
    return {"cond": cond, "lines": lines}


def _interpolate_line_1d(line, t):
    # line: (D, F), t: (B,) in [0, 1] -> (B, F)
    D = line.shape[0]
    t_scaled = t * (D - 1)
    idx0 = jnp.floor(t_scaled).astype(jnp.int32)
    idx1 = jnp.clip(idx0 + 1, 0, D - 1)
    w = (t_scaled - idx0.astype(t_scaled.dtype))[:, None]
    v0 = jnp.take(line, idx0, axis=0)
    v1 = jnp.take(line, idx1, axis=0)
    # torch.lerp(v0, v1, w) = v0 + w * (v1 - v0)
    return v0 + w * (v1 - v0)


def reference(cond, lines):
    # Default (un-refined) forward of CondLatentLines:
    # for each cond dimension, linearly interpolate into its latent line, then concat.
    C = lines.shape[0]
    feats = []
    for i in range(C):
        f1d = _interpolate_line_1d(lines[i], cond[:, i])
        feats.append(f1d)
    return jnp.concatenate(feats, axis=1)  # (B, C*F)

if __name__ == "__main__":
    import jax
    _d = setup_inputs()
    print(jax.jit(kernel)(*tuple(_d.values())))

</pallas_src>

<mosaic_0001>
#map = affine_map<(d0, d1) -> (0, 0)>
#map1 = affine_map<(d0, d1) -> (0, 0, 0)>
module attributes {stable_mosaic.version = 14 : i64} {
  func.func @_sc_body(%arg0: i32, %arg1: i32, %arg2: memref<26x4096xf32, #tpu.memory_space<hbm>>, %arg3: memref<26x100000x32xf32, #tpu.memory_space<hbm>>, %arg4: memref<4096x832xf32, #tpu.memory_space<hbm>>, %arg5: memref<128xf32, #tpu.memory_space<vmem>>, %arg6: memref<128xi32, #tpu.memory_space<vmem>>, %arg7: memref<128xi32, #tpu.memory_space<vmem>>, %arg8: memref<128xf32, #tpu.memory_space<vmem>>, %arg9: memref<128x32xf32, #tpu.memory_space<vmem>>, %arg10: memref<128x32xf32, #tpu.memory_space<vmem>>, %arg11: memref<128x32xf32, #tpu.memory_space<vmem>>, %arg12: memref<!tpu.dma_semaphore, #tpu.memory_space<semaphore_mem>>, %arg13: memref<!tpu.dma_semaphore, #tpu.memory_space<semaphore_mem>>) attributes {dimension_semantics = [#tpu.dimension_semantics<core_parallel>, #tpu.dimension_semantics<subcore_parallel>], iteration_bounds = array<i64: 2, 16>, scalar_prefetch = 0 : i64, scratch_operands = 9 : i64, tpu.core_type = #tpu.core_type<sc_vector_subcore>, window_params = [{transform_indices = #map}, {transform_indices = #map1}, {transform_indices = #map}]} {
    %mul3A = arith.constant 2 : i32
    %mul3A_0 = arith.muli %arg1, %mul3A : i32
    %add3A = arith.addi %mul3A_0, %arg0 : i32
    %mul3A_1 = arith.constant 128 : i32
    %mul3A_2 = arith.muli %add3A, %mul3A_1 : i32
    %scan3A = arith.constant 0 : i32
    %scan3A_3 = arith.constant 0 : i32
    %scan3A_4 = arith.constant 26 : i32
    %scan3A_5 = arith.addi %scan3A_3, %scan3A_4 : i32
    %scan3A_6 = arith.constant 1 : i32
    %scan3A_7 = scf.for %scan3A_9 = %scan3A_3 to %scan3A_5 step %scan3A_6 iter_args(%scan3A_10 = %scan3A) -> (i32)  : i32 {
      "tpu.region"() ({
        %run_scoped3A = tpu.sem_alloc : memref<!tpu.dma_semaphore, #tpu.memory_space<semaphore_mem>>
        %dma_start3A_235 = tpu.memref_slice %arg2[%scan3A_9, %mul3A_2] : memref<26x4096xf32, #tpu.memory_space<hbm>> -> memref<1x128xf32, #tpu.memory_space<hbm>>
        %dma_start3A_236 = tpu.memref_squeeze %dma_start3A_235 : memref<1x128xf32, #tpu.memory_space<hbm>> -> memref<128xf32, #tpu.memory_space<hbm>>
        %dma_start3A_237 = tpu.memref_slice %arg2[%scan3A_9, %mul3A_2] : memref<26x4096xf32, #tpu.memory_space<hbm>> -> memref<1x128xf32, #tpu.memory_space<hbm>>
        %dma_start3A_238 = tpu.memref_squeeze %dma_start3A_237 : memref<1x128xf32, #tpu.memory_space<hbm>> -> memref<128xf32, #tpu.memory_space<hbm>>
        tpu.enqueue_dma source(%dma_start3A_238 : memref<128xf32, #tpu.memory_space<hbm>>) target(%arg5 : memref<128xf32, #tpu.memory_space<vmem>>) target_semaphore(%run_scoped3A : memref<!tpu.dma_semaphore, #tpu.memory_space<semaphore_mem>>)
        %dma_wait3A_239 = tpu.memref_slice %arg2[%scan3A_9, %mul3A_2] : memref<26x4096xf32, #tpu.memory_space<hbm>> -> memref<1x128xf32, #tpu.memory_space<hbm>>
        %dma_wait3A_240 = tpu.memref_squeeze %dma_wait3A_239 : memref<1x128xf32, #tpu.memory_space<hbm>> -> memref<128xf32, #tpu.memory_space<hbm>>
        %dma_wait3A_241 = tpu.memref_slice %arg2[%scan3A_9, %mul3A_2] : memref<26x4096xf32, #tpu.memory_space<hbm>> -> memref<1x128xf32, #tpu.memory_space<hbm>>
        %dma_wait3A_242 = tpu.memref_squeeze %dma_wait3A_241 : memref<1x128xf32, #tpu.memory_space<hbm>> -> memref<128xf32, #tpu.memory_space<hbm>>
        tpu.wait_dma2 semaphore(%run_scoped3A : memref<!tpu.dma_semaphore, #tpu.memory_space<semaphore_mem>>) src(%dma_wait3A_242 : memref<128xf32, #tpu.memory_space<hbm>>) dst(%arg5 : memref<128xf32, #tpu.memory_space<vmem>>)
        tpu.yield
      }) : () -> ()
      %get3A = arith.constant 0 : index
      %get3A_11 = tpu.vector_load %arg5[%get3A] {strides = array<i32>} : memref<128xf32, #tpu.memory_space<vmem>>, vector<16xf32>,
      %get3A_12 = vector.shape_cast %get3A_11 : vector<16xf32> to vector<16xf32>
      %mul3A_13 = arith.constant 9.999900e+04 : f32
      %mul3A_14 = vector.broadcast %mul3A_13 : f32 to vector<16xf32>
      %mul3A_15 = arith.mulf %get3A_12, %mul3A_14 : vector<16xf32>
      %convert_element_type3A = arith.fptosi %mul3A_15 : vector<16xf32> to vector<16xi32>
      %convert_element_type3A_16 = arith.sitofp %convert_element_type3A : vector<16xi32> to vector<16xf32>
      %sub3A = arith.subf %mul3A_15, %convert_element_type3A_16 : vector<16xf32>
      %swap3A = arith.constant 0 : index
      %swap3A_17 = tpu.vector_load %arg6[%swap3A] {strides = array<i32>} : memref<128xi32, #tpu.memory_space<vmem>>, vector<16xi32>,
      %swap3A_18 = vector.shape_cast %swap3A_17 : vector<16xi32> to vector<16xi32>
      %swap3A_19 = vector.shape_cast %convert_element_type3A : vector<16xi32> to vector<16xi32>
      tpu.vector_store %arg6[%swap3A], %swap3A_19 {strides = array<i32>} : memref<128xi32, #tpu.memory_space<vmem>>, vector<16xi32>,
      %add3A_20 = arith.constant 1 : i32
      %add3A_21 = vector.broadcast %add3A_20 : i32 to vector<16xi32>
      %add3A_22 = arith.addi %convert_element_type3A, %add3A_21 : vector<16xi32>
      %swap3A_23 = arith.constant 0 : index
      %swap3A_24 = tpu.vector_load %arg7[%swap3A_23] {strides = array<i32>} : memref<128xi32, #tpu.memory_space<vmem>>, vector<16xi32>,
      %swap3A_25 = vector.shape_cast %swap3A_24 : vector<16xi32> to vector<16xi32>
      %swap3A_26 = vector.shape_cast %add3A_22 : vector<16xi32> to vector<16xi32>
      tpu.vector_store %arg7[%swap3A_23], %swap3A_26 {strides = array<i32>} : memref<128xi32, #tpu.memory_space<vmem>>, vector<16xi32>,
      %swap3A_27 = arith.constant 0 : index
      %swap3A_28 = tpu.vector_load %arg8[%swap3A_27] {strides = array<i32>} : memref<128xf32, #tpu.memory_space<vmem>>, vector<16xf32>,
      %swap3A_29 = vector.shape_cast %swap3A_28 : vector<16xf32> to vector<16xf32>
      %swap3A_30 = vector.shape_cast %sub3A : vector<16xf32> to vector<16xf32>
      tpu.vector_store %arg8[%swap3A_27], %swap3A_30 {strides = array<i32>} : memref<128xf32, #tpu.memory_space<vmem>>, vector<16xf32>,
      %get3A_31 = arith.constant 16 : index
      %get3A_32 = tpu.vector_load %arg5[%get3A_31] {strides = array<i32>} : memref<128xf32, #tpu.memory_space<vmem>>, vector<16xf32>,
      %get3A_33 = vector.shape_cast %get3A_32 : vector<16xf32> to vector<16xf32>
      %mul3A_34 = arith.constant 9.999900e+04 : f32
      %mul3A_35 = vector.broadcast %mul3A_34 : f32 to vector<16xf32>
      %mul3A_36 = arith.mulf %get3A_33, %mul3A_35 : vector<16xf32>
      %convert_element_type3A_37 = arith.fptosi %mul3A_36 : vector<16xf32> to vector<16xi32>
      %convert_element_type3A_38 = arith.sitofp %convert_element_type3A_37 : vector<16xi32> to vector<16xf32>
      %sub3A_39 = arith.subf %mul3A_36, %convert_element_type3A_38 : vector<16xf32>
      %swap3A_40 = arith.constant 16 : index
      %swap3A_41 = tpu.vector_load %arg6[%swap3A_40] {strides = array<i32>} : memref<128xi32, #tpu.memory_space<vmem>>, vector<16xi32>,
      %swap3A_42 = vector.shape_cast %swap3A_41 : vector<16xi32> to vector<16xi32>
      %swap3A_43 = vector.shape_cast %convert_element_type3A_37 : vector<16xi32> to vector<16xi32>
      tpu.vector_store %arg6[%swap3A_40], %swap3A_43 {strides = array<i32>} : memref<128xi32, #tpu.memory_space<vmem>>, vector<16xi32>,
      %add3A_44 = arith.constant 1 : i32
      %add3A_45 = vector.broadcast %add3A_44 : i32 to vector<16xi32>
      %add3A_46 = arith.addi %convert_element_type3A_37, %add3A_45 : vector<16xi32>
      %swap3A_47 = arith.constant 16 : index
      %swap3A_48 = tpu.vector_load %arg7[%swap3A_47] {strides = array<i32>} : memref<128xi32, #tpu.memory_space<vmem>>, vector<16xi32>,
      %swap3A_49 = vector.shape_cast %swap3A_48 : vector<16xi32> to vector<16xi32>
      %swap3A_50 = vector.shape_cast %add3A_46 : vector<16xi32> to vector<16xi32>
      tpu.vector_store %arg7[%swap3A_47], %swap3A_50 {strides = array<i32>} : memref<128xi32, #tpu.memory_space<vmem>>, vector<16xi32>,
      %swap3A_51 = arith.constant 16 : index
      %swap3A_52 = tpu.vector_load %arg8[%swap3A_51] {strides = array<i32>} : memref<128xf32, #tpu.memory_space<vmem>>, vector<16xf32>,
      %swap3A_53 = vector.shape_cast %swap3A_52 : vector<16xf32> to vector<16xf32>
      %swap3A_54 = vector.shape_cast %sub3A_39 : vector<16xf32> to vector<16xf32>
      tpu.vector_store %arg8[%swap3A_51], %swap3A_54 {strides = array<i32>} : memref<128xf32, #tpu.memory_space<vmem>>, vector<16xf32>,
      %get3A_55 = arith.constant 32 : index
      %get3A_56 = tpu.vector_load %arg5[%get3A_55] {strides = array<i32>} : memref<128xf32, #tpu.memory_space<vmem>>, vector<16xf32>,
      %get3A_57 = vector.shape_cast %get3A_56 : vector<16xf32> to vector<16xf32>
      %mul3A_58 = arith.constant 9.999900e+04 : f32
      %mul3A_59 = vector.broadcast %mul3A_58 : f32 to vector<16xf32>
      %mul3A_60 = arith.mulf %get3A_57, %mul3A_59 : vector<16xf32>
      %convert_element_type3A_61 = arith.fptosi %mul3A_60 : vector<16xf32> to vector<16xi32>
      %convert_element_type3A_62 = arith.sitofp %convert_element_type3A_61 : vector<16xi32> to vector<16xf32>
      %sub3A_63 = arith.subf %mul3A_60, %convert_element_type3A_62 : vector<16xf32>
      %swap3A_64 = arith.constant 32 : index
      %swap3A_65 = tpu.vector_load %arg6[%swap3A_64] {strides = array<i32>} : memref<128xi32, #tpu.memory_space<vmem>>, vector<16xi32>,
      %swap3A_66 = vector.shape_cast %swap3A_65 : vector<16xi32> to vector<16xi32>
      %swap3A_67 = vector.shape_cast %convert_element_type3A_61 : vector<16xi32> to vector<16xi32>
      tpu.vector_store %arg6[%swap3A_64], %swap3A_67 {strides = array<i32>} : memref<128xi32, #tpu.memory_space<vmem>>, vector<16xi32>,
      %add3A_68 = arith.constant 1 : i32
      %add3A_69 = vector.broadcast %add3A_68 : i32 to vector<16xi32>
      %add3A_70 = arith.addi %convert_element_type3A_61, %add3A_69 : vector<16xi32>
      %swap3A_71 = arith.constant 32 : index
      %swap3A_72 = tpu.vector_load %arg7[%swap3A_71] {strides = array<i32>} : memref<128xi32, #tpu.memory_space<vmem>>, vector<16xi32>,
      %swap3A_73 = vector.shape_cast %swap3A_72 : vector<16xi32> to vector<16xi32>
      %swap3A_74 = vector.shape_cast %add3A_70 : vector<16xi32> to vector<16xi32>
      tpu.vector_store %arg7[%swap3A_71], %swap3A_74 {strides = array<i32>} : memref<128xi32, #tpu.memory_space<vmem>>, vector<16xi32>,
      %swap3A_75 = arith.constant 32 : index
      %swap3A_76 = tpu.vector_load %arg8[%swap3A_75] {strides = array<i32>} : memref<128xf32, #tpu.memory_space<vmem>>, vector<16xf32>,
      %swap3A_77 = vector.shape_cast %swap3A_76 : vector<16xf32> to vector<16xf32>
      %swap3A_78 = vector.shape_cast %sub3A_63 : vector<16xf32> to vector<16xf32>
      tpu.vector_store %arg8[%swap3A_75], %swap3A_78 {strides = array<i32>} : memref<128xf32, #tpu.memory_space<vmem>>, vector<16xf32>,
      %get3A_79 = arith.constant 48 : index
      %get3A_80 = tpu.vector_load %arg5[%get3A_79] {strides = array<i32>} : memref<128xf32, #tpu.memory_space<vmem>>, vector<16xf32>,
      %get3A_81 = vector.shape_cast %get3A_80 : vector<16xf32> to vector<16xf32>
      %mul3A_82 = arith.constant 9.999900e+04 : f32
      %mul3A_83 = vector.broadcast %mul3A_82 : f32 to vector<16xf32>
      %mul3A_84 = arith.mulf %get3A_81, %mul3A_83 : vector<16xf32>
      %convert_element_type3A_85 = arith.fptosi %mul3A_84 : vector<16xf32> to vector<16xi32>
      %convert_element_type3A_86 = arith.sitofp %convert_element_type3A_85 : vector<16xi32> to vector<16xf32>
      %sub3A_87 = arith.subf %mul3A_84, %convert_element_type3A_86 : vector<16xf32>
      %swap3A_88 = arith.constant 48 : index
      %swap3A_89 = tpu.vector_load %arg6[%swap3A_88] {strides = array<i32>} : memref<128xi32, #tpu.memory_space<vmem>>, vector<16xi32>,
      %swap3A_90 = vector.shape_cast %swap3A_89 : vector<16xi32> to vector<16xi32>
      %swap3A_91 = vector.shape_cast %convert_element_type3A_85 : vector<16xi32> to vector<16xi32>
      tpu.vector_store %arg6[%swap3A_88], %swap3A_91 {strides = array<i32>} : memref<128xi32, #tpu.memory_space<vmem>>, vector<16xi32>,
      %add3A_92 = arith.constant 1 : i32
      %add3A_93 = vector.broadcast %add3A_92 : i32 to vector<16xi32>
      %add3A_94 = arith.addi %convert_element_type3A_85, %add3A_93 : vector<16xi32>
      %swap3A_95 = arith.constant 48 : index
      %swap3A_96 = tpu.vector_load %arg7[%swap3A_95] {strides = array<i32>} : memref<128xi32, #tpu.memory_space<vmem>>, vector<16xi32>,
      %swap3A_97 = vector.shape_cast %swap3A_96 : vector<16xi32> to vector<16xi32>
      %swap3A_98 = vector.shape_cast %add3A_94 : vector<16xi32> to vector<16xi32>
      tpu.vector_store %arg7[%swap3A_95], %swap3A_98 {strides = array<i32>} : memref<128xi32, #tpu.memory_space<vmem>>, vector<16xi32>,
      %swap3A_99 = arith.constant 48 : index
      %swap3A_100 = tpu.vector_load %arg8[%swap3A_99] {strides = array<i32>} : memref<128xf32, #tpu.memory_space<vmem>>, vector<16xf32>,
      %swap3A_101 = vector.shape_cast %swap3A_100 : vector<16xf32> to vector<16xf32>
      %swap3A_102 = vector.shape_cast %sub3A_87 : vector<16xf32> to vector<16xf32>
      tpu.vector_store %arg8[%swap3A_99], %swap3A_102 {strides = array<i32>} : memref<128xf32, #tpu.memory_space<vmem>>, vector<16xf32>,
      %get3A_103 = arith.constant 64 : index
      %get3A_104 = tpu.vector_load %arg5[%get3A_103] {strides = array<i32>} : memref<128xf32, #tpu.memory_space<vmem>>, vector<16xf32>,
      %get3A_105 = vector.shape_cast %get3A_104 : vector<16xf32> to vector<16xf32>
      %mul3A_106 = arith.constant 9.999900e+04 : f32
      %mul3A_107 = vector.broadcast %mul3A_106 : f32 to vector<16xf32>
      %mul3A_108 = arith.mulf %get3A_105, %mul3A_107 : vector<16xf32>
      %convert_element_type3A_109 = arith.fptosi %mul3A_108 : vector<16xf32> to vector<16xi32>
      %convert_element_type3A_110 = arith.sitofp %convert_element_type3A_109 : vector<16xi32> to vector<16xf32>
      %sub3A_111 = arith.subf %mul3A_108, %convert_element_type3A_110 : vector<16xf32>
      %swap3A_112 = arith.constant 64 : index
      %swap3A_113 = tpu.vector_load %arg6[%swap3A_112] {strides = array<i32>} : memref<128xi32, #tpu.memory_space<vmem>>, vector<16xi32>,
      %swap3A_114 = vector.shape_cast %swap3A_113 : vector<16xi32> to vector<16xi32>
      %swap3A_115 = vector.shape_cast %convert_element_type3A_109 : vector<16xi32> to vector<16xi32>
      tpu.vector_store %arg6[%swap3A_112], %swap3A_115 {strides = array<i32>} : memref<128xi32, #tpu.memory_space<vmem>>, vector<16xi32>,
      %add3A_116 = arith.constant 1 : i32
      %add3A_117 = vector.broadcast %add3A_116 : i32 to vector<16xi32>
      %add3A_118 = arith.addi %convert_element_type3A_109, %add3A_117 : vector<16xi32>
      %swap3A_119 = arith.constant 64 : index
      %swap3A_120 = tpu.vector_load %arg7[%swap3A_119] {strides = array<i32>} : memref<128xi32, #tpu.memory_space<vmem>>, vector<16xi32>,
      %swap3A_121 = vector.shape_cast %swap3A_120 : vector<16xi32> to vector<16xi32>
      %swap3A_122 = vector.shape_cast %add3A_118 : vector<16xi32> to vector<16xi32>
      tpu.vector_store %arg7[%swap3A_119], %swap3A_122 {strides = array<i32>} : memref<128xi32, #tpu.memory_space<vmem>>, vector<16xi32>,
      %swap3A_123 = arith.constant 64 : index
      %swap3A_124 = tpu.vector_load %arg8[%swap3A_123] {strides = array<i32>} : memref<128xf32, #tpu.memory_space<vmem>>, vector<16xf32>,
      %swap3A_125 = vector.shape_cast %swap3A_124 : vector<16xf32> to vector<16xf32>
      %swap3A_126 = vector.shape_cast %sub3A_111 : vector<16xf32> to vector<16xf32>
      tpu.vector_store %arg8[%swap3A_123], %swap3A_126 {strides = array<i32>} : memref<128xf32, #tpu.memory_space<vmem>>, vector<16xf32>,
      %get3A_127 = arith.constant 80 : index
      %get3A_128 = tpu.vector_load %arg5[%get3A_127] {strides = array<i32>} : memref<128xf32, #tpu.memory_space<vmem>>, vector<16xf32>,
      %get3A_129 = vector.shape_cast %get3A_128 : vector<16xf32> to vector<16xf32>
      %mul3A_130 = arith.constant 9.999900e+04 : f32
      %mul3A_131 = vector.broadcast %mul3A_130 : f32 to vector<16xf32>
      %mul3A_132 = arith.mulf %get3A_129, %mul3A_131 : vector<16xf32>
      %convert_element_type3A_133 = arith.fptosi %mul3A_132 : vector<16xf32> to vector<16xi32>
      %convert_element_type3A_134 = arith.sitofp %convert_element_type3A_133 : vector<16xi32> to vector<16xf32>
      %sub3A_135 = arith.subf %mul3A_132, %convert_element_type3A_134 : vector<16xf32>
      %swap3A_136 = arith.constant 80 : index
      %swap3A_137 = tpu.vector_load %arg6[%swap3A_136] {strides = array<i32>} : memref<128xi32, #tpu.memory_space<vmem>>, vector<16xi32>,
      %swap3A_138 = vector.shape_cast %swap3A_137 : vector<16xi32> to vector<16xi32>
      %swap3A_139 = vector.shape_cast %convert_element_type3A_133 : vector<16xi32> to vector<16xi32>
      tpu.vector_store %arg6[%swap3A_136], %swap3A_139 {strides = array<i32>} : memref<128xi32, #tpu.memory_space<vmem>>, vector<16xi32>,
      %add3A_140 = arith.constant 1 : i32
      %add3A_141 = vector.broadcast %add3A_140 : i32 to vector<16xi32>
      %add3A_142 = arith.addi %convert_element_type3A_133, %add3A_141 : vector<16xi32>
      %swap3A_143 = arith.constant 80 : index
      %swap3A_144 = tpu.vector_load %arg7[%swap3A_143] {strides = array<i32>} : memref<128xi32, #tpu.memory_space<vmem>>, vector<16xi32>,
      %swap3A_145 = vector.shape_cast %swap3A_144 : vector<16xi32> to vector<16xi32>
      %swap3A_146 = vector.shape_cast %add3A_142 : vector<16xi32> to vector<16xi32>
      tpu.vector_store %arg7[%swap3A_143], %swap3A_146 {strides = array<i32>} : memref<128xi32, #tpu.memory_space<vmem>>, vector<16xi32>,
      %swap3A_147 = arith.constant 80 : index
      %swap3A_148 = tpu.vector_load %arg8[%swap3A_147] {strides = array<i32>} : memref<128xf32, #tpu.memory_space<vmem>>, vector<16xf32>,
      %swap3A_149 = vector.shape_cast %swap3A_148 : vector<16xf32> to vector<16xf32>
      %swap3A_150 = vector.shape_cast %sub3A_135 : vector<16xf32> to vector<16xf32>
      tpu.vector_store %arg8[%swap3A_147], %swap3A_150 {strides = array<i32>} : memref<128xf32, #tpu.memory_space<vmem>>, vector<16xf32>,
      %get3A_151 = arith.constant 96 : index
      %get3A_152 = tpu.vector_load %arg5[%get3A_151] {strides = array<i32>} : memref<128xf32, #tpu.memory_space<vmem>>, vector<16xf32>,
      %get3A_153 = vector.shape_cast %get3A_152 : vector<16xf32> to vector<16xf32>
      %mul3A_154 = arith.constant 9.999900e+04 : f32
      %mul3A_155 = vector.broadcast %mul3A_154 : f32 to vector<16xf32>
      %mul3A_156 = arith.mulf %get3A_153, %mul3A_155 : vector<16xf32>
      %convert_element_type3A_157 = arith.fptosi %mul3A_156 : vector<16xf32> to vector<16xi32>
      %convert_element_type3A_158 = arith.sitofp %convert_element_type3A_157 : vector<16xi32> to vector<16xf32>
      %sub3A_159 = arith.subf %mul3A_156, %convert_element_type3A_158 : vector<16xf32>
      %swap3A_160 = arith.constant 96 : index
      %swap3A_161 = tpu.vector_load %arg6[%swap3A_160] {strides = array<i32>} : memref<128xi32, #tpu.memory_space<vmem>>, vector<16xi32>,
      %swap3A_162 = vector.shape_cast %swap3A_161 : vector<16xi32> to vector<16xi32>
      %swap3A_163 = vector.shape_cast %convert_element_type3A_157 : vector<16xi32> to vector<16xi32>
      tpu.vector_store %arg6[%swap3A_160], %swap3A_163 {strides = array<i32>} : memref<128xi32, #tpu.memory_space<vmem>>, vector<16xi32>,
      %add3A_164 = arith.constant 1 : i32
      %add3A_165 = vector.broadcast %add3A_164 : i32 to vector<16xi32>
      %add3A_166 = arith.addi %convert_element_type3A_157, %add3A_165 : vector<16xi32>
      %swap3A_167 = arith.constant 96 : index
      %swap3A_168 = tpu.vector_load %arg7[%swap3A_167] {strides = array<i32>} : memref<128xi32, #tpu.memory_space<vmem>>, vector<16xi32>,
      %swap3A_169 = vector.shape_cast %swap3A_168 : vector<16xi32> to vector<16xi32>
      %swap3A_170 = vector.shape_cast %add3A_166 : vector<16xi32> to vector<16xi32>
      tpu.vector_store %arg7[%swap3A_167], %swap3A_170 {strides = array<i32>} : memref<128xi32, #tpu.memory_space<vmem>>, vector<16xi32>,
      %swap3A_171 = arith.constant 96 : index
      %swap3A_172 = tpu.vector_load %arg8[%swap3A_171] {strides = array<i32>} : memref<128xf32, #tpu.memory_space<vmem>>, vector<16xf32>,
      %swap3A_173 = vector.shape_cast %swap3A_172 : vector<16xf32> to vector<16xf32>
      %swap3A_174 = vector.shape_cast %sub3A_159 : vector<16xf32> to vector<16xf32>
      tpu.vector_store %arg8[%swap3A_171], %swap3A_174 {strides = array<i32>} : memref<128xf32, #tpu.memory_space<vmem>>, vector<16xf32>,
      %get3A_175 = arith.constant 112 : index
      %get3A_176 = tpu.vector_load %arg5[%get3A_175] {strides = array<i32>} : memref<128xf32, #tpu.memory_space<vmem>>, vector<16xf32>,
      %get3A_177 = vector.shape_cast %get3A_176 : vector<16xf32> to vector<16xf32>
      %mul3A_178 = arith.constant 9.999900e+04 : f32
      %mul3A_179 = vector.broadcast %mul3A_178 : f32 to vector<16xf32>
      %mul3A_180 = arith.mulf %get3A_177, %mul3A_179 : vector<16xf32>
      %convert_element_type3A_181 = arith.fptosi %mul3A_180 : vector<16xf32> to vector<16xi32>
      %convert_element_type3A_182 = arith.sitofp %convert_element_type3A_181 : vector<16xi32> to vector<16xf32>
      %sub3A_183 = arith.subf %mul3A_180, %convert_element_type3A_182 : vector<16xf32>
      %swap3A_184 = arith.constant 112 : index
      %swap3A_185 = tpu.vector_load %arg6[%swap3A_184] {strides = array<i32>} : memref<128xi32, #tpu.memory_space<vmem>>, vector<16xi32>,
      %swap3A_186 = vector.shape_cast %swap3A_185 : vector<16xi32> to vector<16xi32>
      %swap3A_187 = vector.shape_cast %convert_element_type3A_181 : vector<16xi32> to vector<16xi32>
      tpu.vector_store %arg6[%swap3A_184], %swap3A_187 {strides = array<i32>} : memref<128xi32, #tpu.memory_space<vmem>>, vector<16xi32>,
      %add3A_188 = arith.constant 1 : i32
      %add3A_189 = vector.broadcast %add3A_188 : i32 to vector<16xi32>
      %add3A_190 = arith.addi %convert_element_type3A_181, %add3A_189 : vector<16xi32>
      %swap3A_191 = arith.constant 112 : index
      %swap3A_192 = tpu.vector_load %arg7[%swap3A_191] {strides = array<i32>} : memref<128xi32, #tpu.memory_space<vmem>>, vector<16xi32>,
      %swap3A_193 = vector.shape_cast %swap3A_192 : vector<16xi32> to vector<16xi32>
      %swap3A_194 = vector.shape_cast %add3A_190 : vector<16xi32> to vector<16xi32>
      tpu.vector_store %arg7[%swap3A_191], %swap3A_194 {strides = array<i32>} : memref<128xi32, #tpu.memory_space<vmem>>, vector<16xi32>,
      %swap3A_195 = arith.constant 112 : index
      %swap3A_196 = tpu.vector_load %arg8[%swap3A_195] {strides = array<i32>} : memref<128xf32, #tpu.memory_space<vmem>>, vector<16xf32>,
      %swap3A_197 = vector.shape_cast %swap3A_196 : vector<16xf32> to vector<16xf32>
      %swap3A_198 = vector.shape_cast %sub3A_183 : vector<16xf32> to vector<16xf32>
      tpu.vector_store %arg8[%swap3A_195], %swap3A_198 {strides = array<i32>} : memref<128xf32, #tpu.memory_space<vmem>>, vector<16xf32>,
      %dma_start3A = arith.constant 0 : i32
      %dma_start3A_199 = arith.constant 0 : i32
      %dma_start3A_200 = tpu.memref_slice %arg3[%scan3A_9, %dma_start3A, %dma_start3A_199] : memref<26x100000x32xf32, #tpu.memory_space<hbm>> -> memref<1x100000x32xf32, #tpu.memory_space<hbm>>
      %dma_start3A_201 = tpu.memref_squeeze %dma_start3A_200 : memref<1x100000x32xf32, #tpu.memory_space<hbm>> -> memref<100000x32xf32, #tpu.memory_space<hbm>>
      %dma_start3A_202 = arith.constant 0 : i32
      %dma_start3A_203 = arith.constant 0 : i32
      %dma_start3A_204 = tpu.memref_slice %dma_start3A_201[%dma_start3A_202, %dma_start3A_203] : memref<100000x32xf32, #tpu.memory_space<hbm>> -> memref<100000x32xf32, #tpu.memory_space<hbm>>
      tpu.enqueue_indirect_dma source(%dma_start3A_204 : memref<100000x32xf32, #tpu.memory_space<hbm>>) target(%arg9 : memref<128x32xf32, #tpu.memory_space<vmem>>) offsets(%arg6 : memref<128xi32, #tpu.memory_space<vmem>>) semaphore(%arg12 : memref<!tpu.dma_semaphore, #tpu.memory_space<semaphore_mem>>)
      %dma_start3A_205 = arith.constant 0 : i32
      %dma_start3A_206 = arith.constant 0 : i32
      %dma_start3A_207 = tpu.memref_slice %arg3[%scan3A_9, %dma_start3A_205, %dma_start3A_206] : memref<26x100000x32xf32, #tpu.memory_space<hbm>> -> memref<1x100000x32xf32, #tpu.memory_space<hbm>>
      %dma_start3A_208 = tpu.memref_squeeze %dma_start3A_207 : memref<1x100000x32xf32, #tpu.memory_space<hbm>> -> memref<100000x32xf32, #tpu.memory_space<hbm>>
      %dma_start3A_209 = arith.constant 0 : i32
      %dma_start3A_210 = arith.constant 0 : i32
      %dma_start3A_211 = tpu.memref_slice %dma_start3A_208[%dma_start3A_209, %dma_start3A_210] : memref<100000x32xf32, #tpu.memory_space<hbm>> -> memref<100000x32xf32, #tpu.memory_space<hbm>>
      tpu.enqueue_indirect_dma source(%dma_start3A_211 : memref<100000x32xf32, #tpu.memory_space<hbm>>) target(%arg10 : memref<128x32xf32, #tpu.memory_space<vmem>>) offsets(%arg7 : memref<128xi32, #tpu.memory_space<vmem>>) semaphore(%arg13 : memref<!tpu.dma_semaphore, #tpu.memory_space<semaphore_mem>>)
      %dma_wait3A = arith.constant 0 : i32
      %dma_wait3A_212 = arith.constant 0 : i32
      %dma_wait3A_213 = tpu.memref_slice %arg3[%scan3A_9, %dma_wait3A, %dma_wait3A_212] : memref<26x100000x32xf32, #tpu.memory_space<hbm>> -> memref<1x100000x32xf32, #tpu.memory_space<hbm>>
      %dma_wait3A_214 = tpu.memref_squeeze %dma_wait3A_213 : memref<1x100000x32xf32, #tpu.memory_space<hbm>> -> memref<100000x32xf32, #tpu.memory_space<hbm>>
      %dma_wait3A_215 = arith.constant 0 : i32
      %dma_wait3A_216 = arith.constant 0 : i32
      %dma_wait3A_217 = tpu.memref_slice %dma_wait3A_214[%dma_wait3A_215, %dma_wait3A_216] : memref<100000x32xf32, #tpu.memory_space<hbm>> -> memref<100000x32xf32, #tpu.memory_space<hbm>>
      tpu.wait_indirect_dma semaphore(%arg12 : memref<!tpu.dma_semaphore, #tpu.memory_space<semaphore_mem>>) src(%dma_wait3A_217 : memref<100000x32xf32, #tpu.memory_space<hbm>>) dst(%arg9 : memref<128x32xf32, #tpu.memory_space<vmem>>)
      %dma_wait3A_218 = arith.constant 0 : i32
      %dma_wait3A_219 = arith.constant 0 : i32
      %dma_wait3A_220 = tpu.memref_slice %arg3[%scan3A_9, %dma_wait3A_218, %dma_wait3A_219] : memref<26x100000x32xf32, #tpu.memory_space<hbm>> -> memref<1x100000x32xf32, #tpu.memory_space<hbm>>
      %dma_wait3A_221 = tpu.memref_squeeze %dma_wait3A_220 : memref<1x100000x32xf32, #tpu.memory_space<hbm>> -> memref<100000x32xf32, #tpu.memory_space<hbm>>
      %dma_wait3A_222 = arith.constant 0 : i32
      %dma_wait3A_223 = arith.constant 0 : i32
      %dma_wait3A_224 = tpu.memref_slice %dma_wait3A_221[%dma_wait3A_222, %dma_wait3A_223] : memref<100000x32xf32, #tpu.memory_space<hbm>> -> memref<100000x32xf32, #tpu.memory_space<hbm>>
      tpu.wait_indirect_dma semaphore(%arg13 : memref<!tpu.dma_semaphore, #tpu.memory_space<semaphore_mem>>) src(%dma_wait3A_224 : memref<100000x32xf32, #tpu.memory_space<hbm>>) dst(%arg10 : memref<128x32xf32, #tpu.memory_space<vmem>>)
      %scan3A_225 = arith.constant 0 : i32
      %scan3A_226 = arith.constant 0 : i32
      %scan3A_227 = arith.constant 8 : i32
      %scan3A_228 = arith.addi %scan3A_226, %scan3A_227 : i32
      %scan3A_229 = arith.constant 1 : i32
      %scan3A_230 = scf.for %scan3A_235 = %scan3A_226 to %scan3A_228 step %scan3A_229 iter_args(%scan3A_236 = %scan3A_225) -> (i32)  : i32 {
        %mul3A_237 = arith.constant 16 : i32
        %mul3A_238 = arith.muli %scan3A_235, %mul3A_237 : i32
        %get3A_239 = arith.index_cast %mul3A_238 : i32 to index
        %get3A_240 = tpu.vector_load %arg8[%get3A_239] {strides = array<i32>} : memref<128xf32, #tpu.memory_space<vmem>>, vector<16xf32>,
        %get3A_241 = vector.shape_cast %get3A_240 : vector<16xf32> to vector<16xf32>
        %mul3A_242 = arith.constant 16 : i32
        %mul3A_243 = arith.muli %scan3A_235, %mul3A_242 : i32
        %slice3A = vector.extract_strided_slice %get3A_241 {offsets = [0], sizes = [1], strides = [1]} : vector<16xf32> to vector<1xf32>
        %squeeze3A = vector.extract %slice3A[0] : f32 from vector<1xf32>
        %broadcast_in_dim3A = vector.broadcast %squeeze3A : f32 to vector<16xf32>
        %add3A_244 = arith.constant 0 : i32
        %add3A_245 = arith.addi %mul3A_243, %add3A_244 : i32
        %get3A_246 = arith.index_cast %add3A_245 : i32 to index
        %get3A_247 = arith.constant 0 : index
        %get3A_248 = tpu.vector_load %arg9[%get3A_246, %get3A_247] {strides = array<i32>} : memref<128x32xf32, #tpu.memory_space<vmem>>, vector<1x16xf32>,
        %get3A_249 = vector.shape_cast %get3A_248 : vector<1x16xf32> to vector<16xf32>
        %get3A_250 = arith.index_cast %add3A_245 : i32 to index
        %get3A_251 = arith.constant 0 : index
        %get3A_252 = tpu.vector_load %arg10[%get3A_250, %get3A_251] {strides = array<i32>} : memref<128x32xf32, #tpu.memory_space<vmem>>, vector<1x16xf32>,
        %get3A_253 = vector.shape_cast %get3A_252 : vector<1x16xf32> to vector<16xf32>
        %sub3A_254 = arith.subf %get3A_253, %get3A_249 : vector<16xf32>
        %mul3A_255 = arith.mulf %broadcast_in_dim3A, %sub3A_254 : vector<16xf32>
        %add3A_256 = arith.addf %get3A_249, %mul3A_255 : vector<16xf32>
        %swap3A_257 = arith.index_cast %add3A_245 : i32 to index
        %swap3A_258 = arith.constant 0 : index
        %swap3A_259 = tpu.vector_load %arg11[%swap3A_257, %swap3A_258] {strides = array<i32>} : memref<128x32xf32, #tpu.memory_space<vmem>>, vector<1x16xf32>,
        %swap3A_260 = vector.shape_cast %swap3A_259 : vector<1x16xf32> to vector<16xf32>
        %swap3A_261 = vector.shape_cast %add3A_256 : vector<16xf32> to vector<1x16xf32>
        tpu.vector_store %arg11[%swap3A_257, %swap3A_258], %swap3A_261 {strides = array<i32>} : memref<128x32xf32, #tpu.memory_space<vmem>>, vector<1x16xf32>,
        %get3A_262 = arith.index_cast %add3A_245 : i32 to index
        %get3A_263 = arith.constant 16 : index
        %get3A_264 = tpu.vector_load %arg9[%get3A_262, %get3A_263] {strides = array<i32>} : memref<128x32xf32, #tpu.memory_space<vmem>>, vector<1x16xf32>,
        %get3A_265 = vector.shape_cast %get3A_264 : vector<1x16xf32> to vector<16xf32>
        %get3A_266 = arith.index_cast %add3A_245 : i32 to index
        %get3A_267 = arith.constant 16 : index
        %get3A_268 = tpu.vector_load %arg10[%get3A_266, %get3A_267] {strides = array<i32>} : memref<128x32xf32, #tpu.memory_space<vmem>>, vector<1x16xf32>,
        %get3A_269 = vector.shape_cast %get3A_268 : vector<1x16xf32> to vector<16xf32>
        %sub3A_270 = arith.subf %get3A_269, %get3A_265 : vector<16xf32>
        %mul3A_271 = arith.mulf %broadcast_in_dim3A, %sub3A_270 : vector<16xf32>
        %add3A_272 = arith.addf %get3A_265, %mul3A_271 : vector<16xf32>
        %swap3A_273 = arith.index_cast %add3A_245 : i32 to index
        %swap3A_274 = arith.constant 16 : index
        %swap3A_275 = tpu.vector_load %arg11[%swap3A_273, %swap3A_274] {strides = array<i32>} : memref<128x32xf32, #tpu.memory_space<vmem>>, vector<1x16xf32>,
        %swap3A_276 = vector.shape_cast %swap3A_275 : vector<1x16xf32> to vector<16xf32>
        %swap3A_277 = vector.shape_cast %add3A_272 : vector<16xf32> to vector<1x16xf32>
        tpu.vector_store %arg11[%swap3A_273, %swap3A_274], %swap3A_277 {strides = array<i32>} : memref<128x32xf32, #tpu.memory_space<vmem>>, vector<1x16xf32>,
        %slice3A_278 = vector.extract_strided_slice %get3A_241 {offsets = [1], sizes = [1], strides = [1]} : vector<16xf32> to vector<1xf32>
        %squeeze3A_279 = vector.extract %slice3A_278[0] : f32 from vector<1xf32>
        %broadcast_in_dim3A_280 = vector.broadcast %squeeze3A_279 : f32 to vector<16xf32>
        %add3A_281 = arith.constant 1 : i32
        %add3A_282 = arith.addi %mul3A_243, %add3A_281 : i32
        %get3A_283 = arith.index_cast %add3A_282 : i32 to index
        %get3A_284 = arith.constant 0 : index
        %get3A_285 = tpu.vector_load %arg9[%get3A_283, %get3A_284] {strides = array<i32>} : memref<128x32xf32, #tpu.memory_space<vmem>>, vector<1x16xf32>,
        %get3A_286 = vector.shape_cast %get3A_285 : vector<1x16xf32> to vector<16xf32>
        %get3A_287 = arith.index_cast %add3A_282 : i32 to index
        %get3A_288 = arith.constant 0 : index
        %get3A_289 = tpu.vector_load %arg10[%get3A_287, %get3A_288] {strides = array<i32>} : memref<128x32xf32, #tpu.memory_space<vmem>>, vector<1x16xf32>,
        %get3A_290 = vector.shape_cast %get3A_289 : vector<1x16xf32> to vector<16xf32>
        %sub3A_291 = arith.subf %get3A_290, %get3A_286 : vector<16xf32>
        %mul3A_292 = arith.mulf %broadcast_in_dim3A_280, %sub3A_291 : vector<16xf32>
        %add3A_293 = arith.addf %get3A_286, %mul3A_292 : vector<16xf32>
        %swap3A_294 = arith.index_cast %add3A_282 : i32 to index
        %swap3A_295 = arith.constant 0 : index
        %swap3A_296 = tpu.vector_load %arg11[%swap3A_294, %swap3A_295] {strides = array<i32>} : memref<128x32xf32, #tpu.memory_space<vmem>>, vector<1x16xf32>,
        %swap3A_297 = vector.shape_cast %swap3A_296 : vector<1x16xf32> to vector<16xf32>
        %swap3A_298 = vector.shape_cast %add3A_293 : vector<16xf32> to vector<1x16xf32>
        tpu.vector_store %arg11[%swap3A_294, %swap3A_295], %swap3A_298 {strides = array<i32>} : memref<128x32xf32, #tpu.memory_space<vmem>>, vector<1x16xf32>,
        %get3A_299 = arith.index_cast %add3A_282 : i32 to index
        %get3A_300 = arith.constant 16 : index
        %get3A_301 = tpu.vector_load %arg9[%get3A_299, %get3A_300] {strides = array<i32>} : memref<128x32xf32, #tpu.memory_space<vmem>>, vector<1x16xf32>,
        %get3A_302 = vector.shape_cast %get3A_301 : vector<1x16xf32> to vector<16xf32>
        %get3A_303 = arith.index_cast %add3A_282 : i32 to index
        %get3A_304 = arith.constant 16 : index
        %get3A_305 = tpu.vector_load %arg10[%get3A_303, %get3A_304] {strides = array<i32>} : memref<128x32xf32, #tpu.memory_space<vmem>>, vector<1x16xf32>,
        %get3A_306 = vector.shape_cast %get3A_305 : vector<1x16xf32> to vector<16xf32>
        %sub3A_307 = arith.subf %get3A_306, %get3A_302 : vector<16xf32>
        %mul3A_308 = arith.mulf %broadcast_in_dim3A_280, %sub3A_307 : vector<16xf32>
        %add3A_309 = arith.addf %get3A_302, %mul3A_308 : vector<16xf32>
        %swap3A_310 = arith.index_cast %add3A_282 : i32 to index
        %swap3A_311 = arith.constant 16 : index
        %swap3A_312 = tpu.vector_load %arg11[%swap3A_310, %swap3A_311] {strides = array<i32>} : memref<128x32xf32, #tpu.memory_space<vmem>>, vector<1x16xf32>,
        %swap3A_313 = vector.shape_cast %swap3A_312 : vector<1x16xf32> to vector<16xf32>
        %swap3A_314 = vector.shape_cast %add3A_309 : vector<16xf32> to vector<1x16xf32>
        tpu.vector_store %arg11[%swap3A_310, %swap3A_311], %swap3A_314 {strides = array<i32>} : memref<128x32xf32, #tpu.memory_space<vmem>>, vector<1x16xf32>,
        %slice3A_315 = vector.extract_strided_slice %get3A_241 {offsets = [2], sizes = [1], strides = [1]} : vector<16xf32> to vector<1xf32>
        %squeeze3A_316 = vector.extract %slice3A_315[0] : f32 from vector<1xf32>
        %broadcast_in_dim3A_317 = vector.broadcast %squeeze3A_316 : f32 to vector<16xf32>
        %add3A_318 = arith.constant 2 : i32
        %add3A_319 = arith.addi %mul3A_243, %add3A_318 : i32
        %get3A_320 = arith.index_cast %add3A_319 : i32 to index
        %get3A_321 = arith.constant 0 : index
        %get3A_322 = tpu.vector_load %arg9[%get3A_320, %get3A_321] {strides = array<i32>} : memref<128x32xf32, #tpu.memory_space<vmem>>, vector<1x16xf32>,
        %get3A_323 = vector.shape_cast %get3A_322 : vector<1x16xf32> to vector<16xf32>
        %get3A_324 = arith.index_cast %add3A_319 : i32 to index
        %get3A_325 = arith.constant 0 : index
        %get3A_326 = tpu.vector_load %arg10[%get3A_324, %get3A_325] {strides = array<i32>} : memref<128x32xf32, #tpu.memory_space<vmem>>, vector<1x16xf32>,
        %get3A_327 = vector.shape_cast %get3A_326 : vector<1x16xf32> to vector<16xf32>
        %sub3A_328 = arith.subf %get3A_327, %get3A_323 : vector<16xf32>
        %mul3A_329 = arith.mulf %broadcast_in_dim3A_317, %sub3A_328 : vector<16xf32>
        %add3A_330 = arith.addf %get3A_323, %mul3A_329 : vector<16xf32>
        %swap3A_331 = arith.index_cast %add3A_319 : i32 to index
        %swap3A_332 = arith.constant 0 : index
        %swap3A_333 = tpu.vector_load %arg11[%swap3A_331, %swap3A_332] {strides = array<i32>} : memref<128x32xf32, #tpu.memory_space<vmem>>, vector<1x16xf32>,
        %swap3A_334 = vector.shape_cast %swap3A_333 : vector<1x16xf32> to vector<16xf32>
        %swap3A_335 = vector.shape_cast %add3A_330 : vector<16xf32> to vector<1x16xf32>
        tpu.vector_store %arg11[%swap3A_331, %swap3A_332], %swap3A_335 {strides = array<i32>} : memref<128x32xf32, #tpu.memory_space<vmem>>, vector<1x16xf32>,
        %get3A_336 = arith.index_cast %add3A_319 : i32 to index
        %get3A_337 = arith.constant 16 : index
        %get3A_338 = tpu.vector_load %arg9[%get3A_336, %get3A_337] {strides = array<i32>} : memref<128x32xf32, #tpu.memory_space<vmem>>, vector<1x16xf32>,
        %get3A_339 = vector.shape_cast %get3A_338 : vector<1x16xf32> to vector<16xf32>
        %get3A_340 = arith.index_cast %add3A_319 : i32 to index
        %get3A_341 = arith.constant 16 : index
        %get3A_342 = tpu.vector_load %arg10[%get3A_340, %get3A_341] {strides = array<i32>} : memref<128x32xf32, #tpu.memory_space<vmem>>, vector<1x16xf32>,
        %get3A_343 = vector.shape_cast %get3A_342 : vector<1x16xf32> to vector<16xf32>
        %sub3A_344 = arith.subf %get3A_343, %get3A_339 : vector<16xf32>
        %mul3A_345 = arith.mulf %broadcast_in_dim3A_317, %sub3A_344 : vector<16xf32>
        %add3A_346 = arith.addf %get3A_339, %mul3A_345 : vector<16xf32>
        %swap3A_347 = arith.index_cast %add3A_319 : i32 to index
        %swap3A_348 = arith.constant 16 : index
        %swap3A_349 = tpu.vector_load %arg11[%swap3A_347, %swap3A_348] {strides = array<i32>} : memref<128x32xf32, #tpu.memory_space<vmem>>, vector<1x16xf32>,
        %swap3A_350 = vector.shape_cast %swap3A_349 : vector<1x16xf32> to vector<16xf32>
        %swap3A_351 = vector.shape_cast %add3A_346 : vector<16xf32> to vector<1x16xf32>
        tpu.vector_store %arg11[%swap3A_347, %swap3A_348], %swap3A_351 {strides = array<i32>} : memref<128x32xf32, #tpu.memory_space<vmem>>, vector<1x16xf32>,
        %slice3A_352 = vector.extract_strided_slice %get3A_241 {offsets = [3], sizes = [1], strides = [1]} : vector<16xf32> to vector<1xf32>
        %squeeze3A_353 = vector.extract %slice3A_352[0] : f32 from vector<1xf32>
        %broadcast_in_dim3A_354 = vector.broadcast %squeeze3A_353 : f32 to vector<16xf32>
        %add3A_355 = arith.constant 3 : i32
        %add3A_356 = arith.addi %mul3A_243, %add3A_355 : i32
        %get3A_357 = arith.index_cast %add3A_356 : i32 to index
        %get3A_358 = arith.constant 0 : index
        %get3A_359 = tpu.vector_load %arg9[%get3A_357, %get3A_358] {strides = array<i32>} : memref<128x32xf32, #tpu.memory_space<vmem>>, vector<1x16xf32>,
        %get3A_360 = vector.shape_cast %get3A_359 : vector<1x16xf32> to vector<16xf32>
        %get3A_361 = arith.index_cast %add3A_356 : i32 to index
        %get3A_362 = arith.constant 0 : index
        %get3A_363 = tpu.vector_load %arg10[%get3A_361, %get3A_362] {strides = array<i32>} : memref<128x32xf32, #tpu.memory_space<vmem>>, vector<1x16xf32>,
        %get3A_364 = vector.shape_cast %get3A_363 : vector<1x16xf32> to vector<16xf32>
        %sub3A_365 = arith.subf %get3A_364, %get3A_360 : vector<16xf32>
        %mul3A_366 = arith.mulf %broadcast_in_dim3A_354, %sub3A_365 : vector<16xf32>
        %add3A_367 = arith.addf %get3A_360, %mul3A_366 : vector<16xf32>
        %swap3A_368 = arith.index_cast %add3A_356 : i32 to index
        %swap3A_369 = arith.constant 0 : index
        %swap3A_370 = tpu.vector_load %arg11[%swap3A_368, %swap3A_369] {strides = array<i32>} : memref<128x32xf32, #tpu.memory_space<vmem>>, vector<1x16xf32>,
        %swap3A_371 = vector.shape_cast %swap3A_370 : vector<1x16xf32> to vector<16xf32>
        %swap3A_372 = vector.shape_cast %add3A_367 : vector<16xf32> to vector<1x16xf32>
        tpu.vector_store %arg11[%swap3A_368, %swap3A_369], %swap3A_372 {strides = array<i32>} : memref<128x32xf32, #tpu.memory_space<vmem>>, vector<1x16xf32>,
        %get3A_373 = arith.index_cast %add3A_356 : i32 to index
        %get3A_374 = arith.constant 16 : index
        %get3A_375 = tpu.vector_load %arg9[%get3A_373, %get3A_374] {strides = array<i32>} : memref<128x32xf32, #tpu.memory_space<vmem>>, vector<1x16xf32>,
        %get3A_376 = vector.shape_cast %get3A_375 : vector<1x16xf32> to vector<16xf32>
        %get3A_377 = arith.index_cast %add3A_356 : i32 to index
        %get3A_378 = arith.constant 16 : index
        %get3A_379 = tpu.vector_load %arg10[%get3A_377, %get3A_378] {strides = array<i32>} : memref<128x32xf32, #tpu.memory_space<vmem>>, vector<1x16xf32>,
        %get3A_380 = vector.shape_cast %get3A_379 : vector<1x16xf32> to vector<16xf32>
        %sub3A_381 = arith.subf %get3A_380, %get3A_376 : vector<16xf32>
        %mul3A_382 = arith.mulf %broadcast_in_dim3A_354, %sub3A_381 : vector<16xf32>
        %add3A_383 = arith.addf %get3A_376, %mul3A_382 : vector<16xf32>
        %swap3A_384 = arith.index_cast %add3A_356 : i32 to index
        %swap3A_385 = arith.constant 16 : index
        %swap3A_386 = tpu.vector_load %arg11[%swap3A_384, %swap3A_385] {strides = array<i32>} : memref<128x32xf32, #tpu.memory_space<vmem>>, vector<1x16xf32>,
        %swap3A_387 = vector.shape_cast %swap3A_386 : vector<1x16xf32> to vector<16xf32>
        %swap3A_388 = vector.shape_cast %add3A_383 : vector<16xf32> to vector<1x16xf32>
        tpu.vector_store %arg11[%swap3A_384, %swap3A_385], %swap3A_388 {strides = array<i32>} : memref<128x32xf32, #tpu.memory_space<vmem>>, vector<1x16xf32>,
        %slice3A_389 = vector.extract_strided_slice %get3A_241 {offsets = [4], sizes = [1], strides = [1]} : vector<16xf32> to vector<1xf32>
        %squeeze3A_390 = vector.extract %slice3A_389[0] : f32 from vector<1xf32>
        %broadcast_in_dim3A_391 = vector.broadcast %squeeze3A_390 : f32 to vector<16xf32>
        %add3A_392 = arith.constant 4 : i32
        %add3A_393 = arith.addi %mul3A_243, %add3A_392 : i32
        %get3A_394 = arith.index_cast %add3A_393 : i32 to index
        %get3A_395 = arith.constant 0 : index
        %get3A_396 = tpu.vector_load %arg9[%get3A_394, %get3A_395] {strides = array<i32>} : memref<128x32xf32, #tpu.memory_space<vmem>>, vector<1x16xf32>,
        %get3A_397 = vector.shape_cast %get3A_396 : vector<1x16xf32> to vector<16xf32>
        %get3A_398 = arith.index_cast %add3A_393 : i32 to index
        %get3A_399 = arith.constant 0 : index
        %get3A_400 = tpu.vector_load %arg10[%get3A_398, %get3A_399] {strides = array<i32>} : memref<128x32xf32, #tpu.memory_space<vmem>>, vector<1x16xf32>,
        %get3A_401 = vector.shape_cast %get3A_400 : vector<1x16xf32> to vector<16xf32>
        %sub3A_402 = arith.subf %get3A_401, %get3A_397 : vector<16xf32>
        %mul3A_403 = arith.mulf %broadcast_in_dim3A_391, %sub3A_402 : vector<16xf32>
        %add3A_404 = arith.addf %get3A_397, %mul3A_403 : vector<16xf32>
        %swap3A_405 = arith.index_cast %add3A_393 : i32 to index
        %swap3A_406 = arith.constant 0 : index
        %swap3A_407 = tpu.vector_load %arg11[%swap3A_405, %swap3A_406] {strides = array<i32>} : memref<128x32xf32, #tpu.memory_space<vmem>>, vector<1x16xf32>,
        %swap3A_408 = vector.shape_cast %swap3A_407 : vector<1x16xf32> to vector<16xf32>
        %swap3A_409 = vector.shape_cast %add3A_404 : vector<16xf32> to vector<1x16xf32>
        tpu.vector_store %arg11[%swap3A_405, %swap3A_406], %swap3A_409 {strides = array<i32>} : memref<128x32xf32, #tpu.memory_space<vmem>>, vector<1x16xf32>,
        %get3A_410 = arith.index_cast %add3A_393 : i32 to index
        %get3A_411 = arith.constant 16 : index
        %get3A_412 = tpu.vector_load %arg9[%get3A_410, %get3A_411] {strides = array<i32>} : memref<128x32xf32, #tpu.memory_space<vmem>>, vector<1x16xf32>,
        %get3A_413 = vector.shape_cast %get3A_412 : vector<1x16xf32> to vector<16xf32>
        %get3A_414 = arith.index_cast %add3A_393 : i32 to index
        %get3A_415 = arith.constant 16 : index
        %get3A_416 = tpu.vector_load %arg10[%get3A_414, %get3A_415] {strides = array<i32>} : memref<128x32xf32, #tpu.memory_space<vmem>>, vector<1x16xf32>,
        %get3A_417 = vector.shape_cast %get3A_416 : vector<1x16xf32> to vector<16xf32>
        %sub3A_418 = arith.subf %get3A_417, %get3A_413 : vector<16xf32>
        %mul3A_419 = arith.mulf %broadcast_in_dim3A_391, %sub3A_418 : vector<16xf32>
        %add3A_420 = arith.addf %get3A_413, %mul3A_419 : vector<16xf32>
        %swap3A_421 = arith.index_cast %add3A_393 : i32 to index
        %swap3A_422 = arith.constant 16 : index
        %swap3A_423 = tpu.vector_load %arg11[%swap3A_421, %swap3A_422] {strides = array<i32>} : memref<128x32xf32, #tpu.memory_space<vmem>>, vector<1x16xf32>,
        %swap3A_424 = vector.shape_cast %swap3A_423 : vector<1x16xf32> to vector<16xf32>
        %swap3A_425 = vector.shape_cast %add3A_420 : vector<16xf32> to vector<1x16xf32>
        tpu.vector_store %arg11[%swap3A_421, %swap3A_422], %swap3A_425 {strides = array<i32>} : memref<128x32xf32, #tpu.memory_space<vmem>>, vector<1x16xf32>,
        %slice3A_426 = vector.extract_strided_slice %get3A_241 {offsets = [5], sizes = [1], strides = [1]} : vector<16xf32> to vector<1xf32>
        %squeeze3A_427 = vector.extract %slice3A_426[0] : f32 from vector<1xf32>
        %broadcast_in_dim3A_428 = vector.broadcast %squeeze3A_427 : f32 to vector<16xf32>
        %add3A_429 = arith.constant 5 : i32
        %add3A_430 = arith.addi %mul3A_243, %add3A_429 : i32
        %get3A_431 = arith.index_cast %add3A_430 : i32 to index
        %get3A_432 = arith.constant 0 : index
        %get3A_433 = tpu.vector_load %arg9[%get3A_431, %get3A_432] {strides = array<i32>} : memref<128x32xf32, #tpu.memory_space<vmem>>, vector<1x16xf32>,
        %get3A_434 = vector.shape_cast %get3A_433 : vector<1x16xf32> to vector<16xf32>
        %get3A_435 = arith.index_cast %add3A_430 : i32 to index
        %get3A_436 = arith.constant 0 : index
        %get3A_437 = tpu.vector_load %arg10[%get3A_435, %get3A_436] {strides = array<i32>} : memref<128x32xf32, #tpu.memory_space<vmem>>, vector<1x16xf32>,
        %get3A_438 = vector.shape_cast %get3A_437 : vector<1x16xf32> to vector<16xf32>
        %sub3A_439 = arith.subf %get3A_438, %get3A_434 : vector<16xf32>
        %mul3A_440 = arith.mulf %broadcast_in_dim3A_428, %sub3A_439 : vector<16xf32>
        %add3A_441 = arith.addf %get3A_434, %mul3A_440 : vector<16xf32>
        %swap3A_442 = arith.index_cast %add3A_430 : i32 to index
        %swap3A_443 = arith.constant 0 : index
        %swap3A_444 = tpu.vector_load %arg11[%swap3A_442, %swap3A_443] {strides = array<i32>} : memref<128x32xf32, #tpu.memory_space<vmem>>, vector<1x16xf32>,
        %swap3A_445 = vector.shape_cast %swap3A_444 : vector<1x16xf32> to vector<16xf32>
        %swap3A_446 = vector.shape_cast %add3A_441 : vector<16xf32> to vector<1x16xf32>
        tpu.vector_store %arg11[%swap3A_442, %swap3A_443], %swap3A_446 {strides = array<i32>} : memref<128x32xf32, #tpu.memory_space<vmem>>, vector<1x16xf32>,
        %get3A_447 = arith.index_cast %add3A_430 : i32 to index
        %get3A_448 = arith.constant 16 : index
        %get3A_449 = tpu.vector_load %arg9[%get3A_447, %get3A_448] {strides = array<i32>} : memref<128x32xf32, #tpu.memory_space<vmem>>, vector<1x16xf32>,
        %get3A_450 = vector.shape_cast %get3A_449 : vector<1x16xf32> to vector<16xf32>
        %get3A_451 = arith.index_cast %add3A_430 : i32 to index
        %get3A_452 = arith.constant 16 : index
        %get3A_453 = tpu.vector_load %arg10[%get3A_451, %get3A_452] {strides = array<i32>} : memref<128x32xf32, #tpu.memory_space<vmem>>, vector<1x16xf32>,
        %get3A_454 = vector.shape_cast %get3A_453 : vector<1x16xf32> to vector<16xf32>
        %sub3A_455 = arith.subf %get3A_454, %get3A_450 : vector<16xf32>
        %mul3A_456 = arith.mulf %broadcast_in_dim3A_428, %sub3A_455 : vector<16xf32>
        %add3A_457 = arith.addf %get3A_450, %mul3A_456 : vector<16xf32>
        %swap3A_458 = arith.index_cast %add3A_430 : i32 to index
        %swap3A_459 = arith.constant 16 : index
        %swap3A_460 = tpu.vector_load %arg11[%swap3A_458, %swap3A_459] {strides = array<i32>} : memref<128x32xf32, #tpu.memory_space<vmem>>, vector<1x16xf32>,
        %swap3A_461 = vector.shape_cast %swap3A_460 : vector<1x16xf32> to vector<16xf32>
        %swap3A_462 = vector.shape_cast %add3A_457 : vector<16xf32> to vector<1x16xf32>
        tpu.vector_store %arg11[%swap3A_458, %swap3A_459], %swap3A_462 {strides = array<i32>} : memref<128x32xf32, #tpu.memory_space<vmem>>, vector<1x16xf32>,
        %slice3A_463 = vector.extract_strided_slice %get3A_241 {offsets = [6], sizes = [1], strides = [1]} : vector<16xf32> to vector<1xf32>
        %squeeze3A_464 = vector.extract %slice3A_463[0] : f32 from vector<1xf32>
        %broadcast_in_dim3A_465 = vector.broadcast %squeeze3A_464 : f32 to vector<16xf32>
        %add3A_466 = arith.constant 6 : i32
        %add3A_467 = arith.addi %mul3A_243, %add3A_466 : i32
        %get3A_468 = arith.index_cast %add3A_467 : i32 to index
        %get3A_469 = arith.constant 0 : index
        %get3A_470 = tpu.vector_load %arg9[%get3A_468, %get3A_469] {strides = array<i32>} : memref<128x32xf32, #tpu.memory_space<vmem>>, vector<1x16xf32>,
        %get3A_471 = vector.shape_cast %get3A_470 : vector<1x16xf32> to vector<16xf32>
        %get3A_472 = arith.index_cast %add3A_467 : i32 to index
        %get3A_473 = arith.constant 0 : index
        %get3A_474 = tpu.vector_load %arg10[%get3A_472, %get3A_473] {strides = array<i32>} : memref<128x32xf32, #tpu.memory_space<vmem>>, vector<1x16xf32>,
        %get3A_475 = vector.shape_cast %get3A_474 : vector<1x16xf32> to vector<16xf32>
        %sub3A_476 = arith.subf %get3A_475, %get3A_471 : vector<16xf32>
        %mul3A_477 = arith.mulf %broadcast_in_dim3A_465, %sub3A_476 : vector<16xf32>
        %add3A_478 = arith.addf %get3A_471, %mul3A_477 : vector<16xf32>
        %swap3A_479 = arith.index_cast %add3A_467 : i32 to index
        %swap3A_480 = arith.constant 0 : index
        %swap3A_481 = tpu.vector_load %arg11[%swap3A_479, %swap3A_480] {strides = array<i32>} : memref<128x32xf32, #tpu.memory_space<vmem>>, vector<1x16xf32>,
        %swap3A_482 = vector.shape_cast %swap3A_481 : vector<1x16xf32> to vector<16xf32>
        %swap3A_483 = vector.shape_cast %add3A_478 : vector<16xf32> to vector<1x16xf32>
        tpu.vector_store %arg11[%swap3A_479, %swap3A_480], %swap3A_483 {strides = array<i32>} : memref<128x32xf32, #tpu.memory_space<vmem>>, vector<1x16xf32>,
        %get3A_484 = arith.index_cast %add3A_467 : i32 to index
        %get3A_485 = arith.constant 16 : index
        %get3A_486 = tpu.vector_load %arg9[%get3A_484, %get3A_485] {strides = array<i32>} : memref<128x32xf32, #tpu.memory_space<vmem>>, vector<1x16xf32>,
        %get3A_487 = vector.shape_cast %get3A_486 : vector<1x16xf32> to vector<16xf32>
        %get3A_488 = arith.index_cast %add3A_467 : i32 to index
        %get3A_489 = arith.constant 16 : index
        %get3A_490 = tpu.vector_load %arg10[%get3A_488, %get3A_489] {strides = array<i32>} : memref<128x32xf32, #tpu.memory_space<vmem>>, vector<1x16xf32>,
        %get3A_491 = vector.shape_cast %get3A_490 : vector<1x16xf32> to vector<16xf32>
        %sub3A_492 = arith.subf %get3A_491, %get3A_487 : vector<16xf32>
        %mul3A_493 = arith.mulf %broadcast_in_dim3A_465, %sub3A_492 : vector<16xf32>
        %add3A_494 = arith.addf %get3A_487, %mul3A_493 : vector<16xf32>
        %swap3A_495 = arith.index_cast %add3A_467 : i32 to index
        %swap3A_496 = arith.constant 16 : index
        %swap3A_497 = tpu.vector_load %arg11[%swap3A_495, %swap3A_496] {strides = array<i32>} : memref<128x32xf32, #tpu.memory_space<vmem>>, vector<1x16xf32>,
        %swap3A_498 = vector.shape_cast %swap3A_497 : vector<1x16xf32> to vector<16xf32>
        %swap3A_499 = vector.shape_cast %add3A_494 : vector<16xf32> to vector<1x16xf32>
        tpu.vector_store %arg11[%swap3A_495, %swap3A_496], %swap3A_499 {strides = array<i32>} : memref<128x32xf32, #tpu.memory_space<vmem>>, vector<1x16xf32>,
        %slice3A_500 = vector.extract_strided_slice %get3A_241 {offsets = [7], sizes = [1], strides = [1]} : vector<16xf32> to vector<1xf32>
        %squeeze3A_501 = vector.extract %slice3A_500[0] : f32 from vector<1xf32>
        %broadcast_in_dim3A_502 = vector.broadcast %squeeze3A_501 : f32 to vector<16xf32>
        %add3A_503 = arith.constant 7 : i32
        %add3A_504 = arith.addi %mul3A_243, %add3A_503 : i32
        %get3A_505 = arith.index_cast %add3A_504 : i32 to index
        %get3A_506 = arith.constant 0 : index
        %get3A_507 = tpu.vector_load %arg9[%get3A_505, %get3A_506] {strides = array<i32>} : memref<128x32xf32, #tpu.memory_space<vmem>>, vector<1x16xf32>,
        %get3A_508 = vector.shape_cast %get3A_507 : vector<1x16xf32> to vector<16xf32>
        %get3A_509 = arith.index_cast %add3A_504 : i32 to index
        %get3A_510 = arith.constant 0 : index
        %get3A_511 = tpu.vector_load %arg10[%get3A_509, %get3A_510] {strides = array<i32>} : memref<128x32xf32, #tpu.memory_space<vmem>>, vector<1x16xf32>,
        %get3A_512 = vector.shape_cast %get3A_511 : vector<1x16xf32> to vector<16xf32>
        %sub3A_513 = arith.subf %get3A_512, %get3A_508 : vector<16xf32>
        %mul3A_514 = arith.mulf %broadcast_in_dim3A_502, %sub3A_513 : vector<16xf32>
        %add3A_515 = arith.addf %get3A_508, %mul3A_514 : vector<16xf32>
        %swap3A_516 = arith.index_cast %add3A_504 : i32 to index
        %swap3A_517 = arith.constant 0 : index
        %swap3A_518 = tpu.vector_load %arg11[%swap3A_516, %swap3A_517] {strides = array<i32>} : memref<128x32xf32, #tpu.memory_space<vmem>>, vector<1x16xf32>,
        %swap3A_519 = vector.shape_cast %swap3A_518 : vector<1x16xf32> to vector<16xf32>
        %swap3A_520 = vector.shape_cast %add3A_515 : vector<16xf32> to vector<1x16xf32>
        tpu.vector_store %arg11[%swap3A_516, %swap3A_517], %swap3A_520 {strides = array<i32>} : memref<128x32xf32, #tpu.memory_space<vmem>>, vector<1x16xf32>,
        %get3A_521 = arith.index_cast %add3A_504 : i32 to index
        %get3A_522 = arith.constant 16 : index
        %get3A_523 = tpu.vector_load %arg9[%get3A_521, %get3A_522] {strides = array<i32>} : memref<128x32xf32, #tpu.memory_space<vmem>>, vector<1x16xf32>,
        %get3A_524 = vector.shape_cast %get3A_523 : vector<1x16xf32> to vector<16xf32>
        %get3A_525 = arith.index_cast %add3A_504 : i32 to index
        %get3A_526 = arith.constant 16 : index
        %get3A_527 = tpu.vector_load %arg10[%get3A_525, %get3A_526] {strides = array<i32>} : memref<128x32xf32, #tpu.memory_space<vmem>>, vector<1x16xf32>,
        %get3A_528 = vector.shape_cast %get3A_527 : vector<1x16xf32> to vector<16xf32>
        %sub3A_529 = arith.subf %get3A_528, %get3A_524 : vector<16xf32>
        %mul3A_530 = arith.mulf %broadcast_in_dim3A_502, %sub3A_529 : vector<16xf32>
        %add3A_531 = arith.addf %get3A_524, %mul3A_530 : vector<16xf32>
        %swap3A_532 = arith.index_cast %add3A_504 : i32 to index
        %swap3A_533 = arith.constant 16 : index
        %swap3A_534 = tpu.vector_load %arg11[%swap3A_532, %swap3A_533] {strides = array<i32>} : memref<128x32xf32, #tpu.memory_space<vmem>>, vector<1x16xf32>,
        %swap3A_535 = vector.shape_cast %swap3A_534 : vector<1x16xf32> to vector<16xf32>
        %swap3A_536 = vector.shape_cast %add3A_531 : vector<16xf32> to vector<1x16xf32>
        tpu.vector_store %arg11[%swap3A_532, %swap3A_533], %swap3A_536 {strides = array<i32>} : memref<128x32xf32, #tpu.memory_space<vmem>>, vector<1x16xf32>,
        %slice3A_537 = vector.extract_strided_slice %get3A_241 {offsets = [8], sizes = [1], strides = [1]} : vector<16xf32> to vector<1xf32>
        %squeeze3A_538 = vector.extract %slice3A_537[0] : f32 from vector<1xf32>
        %broadcast_in_dim3A_539 = vector.broadcast %squeeze3A_538 : f32 to vector<16xf32>
        %add3A_540 = arith.constant 8 : i32
        %add3A_541 = arith.addi %mul3A_243, %add3A_540 : i32
        %get3A_542 = arith.index_cast %add3A_541 : i32 to index
        %get3A_543 = arith.constant 0 : index
        %get3A_544 = tpu.vector_load %arg9[%get3A_542, %get3A_543] {strides = array<i32>} : memref<128x32xf32, #tpu.memory_space<vmem>>, vector<1x16xf32>,
        %get3A_545 = vector.shape_cast %get3A_544 : vector<1x16xf32> to vector<16xf32>
        %get3A_546 = arith.index_cast %add3A_541 : i32 to index
        %get3A_547 = arith.constant 0 : index
        %get3A_548 = tpu.vector_load %arg10[%get3A_546, %get3A_547] {strides = array<i32>} : memref<128x32xf32, #tpu.memory_space<vmem>>, vector<1x16xf32>,
        %get3A_549 = vector.shape_cast %get3A_548 : vector<1x16xf32> to vector<16xf32>
        %sub3A_550 = arith.subf %get3A_549, %get3A_545 : vector<16xf32>
        %mul3A_551 = arith.mulf %broadcast_in_dim3A_539, %sub3A_550 : vector<16xf32>
        %add3A_552 = arith.addf %get3A_545, %mul3A_551 : vector<16xf32>
        %swap3A_553 = arith.index_cast %add3A_541 : i32 to index
        %swap3A_554 = arith.constant 0 : index
        %swap3A_555 = tpu.vector_load %arg11[%swap3A_553, %swap3A_554] {strides = array<i32>} : memref<128x32xf32, #tpu.memory_space<vmem>>, vector<1x16xf32>,
        %swap3A_556 = vector.shape_cast %swap3A_555 : vector<1x16xf32> to vector<16xf32>
        %swap3A_557 = vector.shape_cast %add3A_552 : vector<16xf32> to vector<1x16xf32>
        tpu.vector_store %arg11[%swap3A_553, %swap3A_554], %swap3A_557 {strides = array<i32>} : memref<128x32xf32, #tpu.memory_space<vmem>>, vector<1x16xf32>,
        %get3A_558 = arith.index_cast %add3A_541 : i32 to index
        %get3A_559 = arith.constant 16 : index
        %get3A_560 = tpu.vector_load %arg9[%get3A_558, %get3A_559] {strides = array<i32>} : memref<128x32xf32, #tpu.memory_space<vmem>>, vector<1x16xf32>,
        %get3A_561 = vector.shape_cast %get3A_560 : vector<1x16xf32> to vector<16xf32>
        %get3A_562 = arith.index_cast %add3A_541 : i32 to index
        %get3A_563 = arith.constant 16 : index
        %get3A_564 = tpu.vector_load %arg10[%get3A_562, %get3A_563] {strides = array<i32>} : memref<128x32xf32, #tpu.memory_space<vmem>>, vector<1x16xf32>,
        %get3A_565 = vector.shape_cast %get3A_564 : vector<1x16xf32> to vector<16xf32>
        %sub3A_566 = arith.subf %get3A_565, %get3A_561 : vector<16xf32>
        %mul3A_567 = arith.mulf %broadcast_in_dim3A_539, %sub3A_566 : vector<16xf32>
        %add3A_568 = arith.addf %get3A_561, %mul3A_567 : vector<16xf32>
        %swap3A_569 = arith.index_cast %add3A_541 : i32 to index
        %swap3A_570 = arith.constant 16 : index
        %swap3A_571 = tpu.vector_load %arg11[%swap3A_569, %swap3A_570] {strides = array<i32>} : memref<128x32xf32, #tpu.memory_space<vmem>>, vector<1x16xf32>,
        %swap3A_572 = vector.shape_cast %swap3A_571 : vector<1x16xf32> to vector<16xf32>
        %swap3A_573 = vector.shape_cast %add3A_568 : vector<16xf32> to vector<1x16xf32>
        tpu.vector_store %arg11[%swap3A_569, %swap3A_570], %swap3A_573 {strides = array<i32>} : memref<128x32xf32, #tpu.memory_space<vmem>>, vector<1x16xf32>,
        %slice3A_574 = vector.extract_strided_slice %get3A_241 {offsets = [9], sizes = [1], strides = [1]} : vector<16xf32> to vector<1xf32>
        %squeeze3A_575 = vector.extract %slice3A_574[0] : f32 from vector<1xf32>
        %broadcast_in_dim3A_576 = vector.broadcast %squeeze3A_575 : f32 to vector<16xf32>
        %add3A_577 = arith.constant 9 : i32
        %add3A_578 = arith.addi %mul3A_243, %add3A_577 : i32
        %get3A_579 = arith.index_cast %add3A_578 : i32 to index
        %get3A_580 = arith.constant 0 : index
        %get3A_581 = tpu.vector_load %arg9[%get3A_579, %get3A_580] {strides = array<i32>} : memref<128x32xf32, #tpu.memory_space<vmem>>, vector<1x16xf32>,
        %get3A_582 = vector.shape_cast %get3A_581 : vector<1x16xf32> to vector<16xf32>
        %get3A_583 = arith.index_cast %add3A_578 : i32 to index
        %get3A_584 = arith.constant 0 : index
        %get3A_585 = tpu.vector_load %arg10[%get3A_583, %get3A_584] {strides = array<i32>} : memref<128x32xf32, #tpu.memory_space<vmem>>, vector<1x16xf32>,
        %get3A_586 = vector.shape_cast %get3A_585 : vector<1x16xf32> to vector<16xf32>
        %sub3A_587 = arith.subf %get3A_586, %get3A_582 : vector<16xf32>
        %mul3A_588 = arith.mulf %broadcast_in_dim3A_576, %sub3A_587 : vector<16xf32>
        %add3A_589 = arith.addf %get3A_582, %mul3A_588 : vector<16xf32>
        %swap3A_590 = arith.index_cast %add3A_578 : i32 to index
        %swap3A_591 = arith.constant 0 : index
        %swap3A_592 = tpu.vector_load %arg11[%swap3A_590, %swap3A_591] {strides = array<i32>} : memref<128x32xf32, #tpu.memory_space<vmem>>, vector<1x16xf32>,
        %swap3A_593 = vector.shape_cast %swap3A_592 : vector<1x16xf32> to vector<16xf32>
        %swap3A_594 = vector.shape_cast %add3A_589 : vector<16xf32> to vector<1x16xf32>
        tpu.vector_store %arg11[%swap3A_590, %swap3A_591], %swap3A_594 {strides = array<i32>} : memref<128x32xf32, #tpu.memory_space<vmem>>, vector<1x16xf32>,
        %get3A_595 = arith.index_cast %add3A_578 : i32 to index
        %get3A_596 = arith.constant 16 : index
        %get3A_597 = tpu.vector_load %arg9[%get3A_595, %get3A_596] {strides = array<i32>} : memref<128x32xf32, #tpu.memory_space<vmem>>, vector<1x16xf32>,
        %get3A_598 = vector.shape_cast %get3A_597 : vector<1x16xf32> to vector<16xf32>
        %get3A_599 = arith.index_cast %add3A_578 : i32 to index
        %get3A_600 = arith.constant 16 : index
        %get3A_601 = tpu.vector_load %arg10[%get3A_599, %get3A_600] {strides = array<i32>} : memref<128x32xf32, #tpu.memory_space<vmem>>, vector<1x16xf32>,
        %get3A_602 = vector.shape_cast %get3A_601 : vector<1x16xf32> to vector<16xf32>
        %sub3A_603 = arith.subf %get3A_602, %get3A_598 : vector<16xf32>
        %mul3A_604 = arith.mulf %broadcast_in_dim3A_576, %sub3A_603 : vector<16xf32>
        %add3A_605 = arith.addf %get3A_598, %mul3A_604 : vector<16xf32>
        %swap3A_606 = arith.index_cast %add3A_578 : i32 to index
        %swap3A_607 = arith.constant 16 : index
        %swap3A_608 = tpu.vector_load %arg11[%swap3A_606, %swap3A_607] {strides = array<i32>} : memref<128x32xf32, #tpu.memory_space<vmem>>, vector<1x16xf32>,
        %swap3A_609 = vector.shape_cast %swap3A_608 : vector<1x16xf32> to vector<16xf32>
        %swap3A_610 = vector.shape_cast %add3A_605 : vector<16xf32> to vector<1x16xf32>
        tpu.vector_store %arg11[%swap3A_606, %swap3A_607], %swap3A_610 {strides = array<i32>} : memref<128x32xf32, #tpu.memory_space<vmem>>, vector<1x16xf32>,
        %slice3A_611 = vector.extract_strided_slice %get3A_241 {offsets = [10], sizes = [1], strides = [1]} : vector<16xf32> to vector<1xf32>
        %squeeze3A_612 = vector.extract %slice3A_611[0] : f32 from vector<1xf32>
        %broadcast_in_dim3A_613 = vector.broadcast %squeeze3A_612 : f32 to vector<16xf32>
        %add3A_614 = arith.constant 10 : i32
        %add3A_615 = arith.addi %mul3A_243, %add3A_614 : i32
        %get3A_616 = arith.index_cast %add3A_615 : i32 to index
        %get3A_617 = arith.constant 0 : index
        %get3A_618 = tpu.vector_load %arg9[%get3A_616, %get3A_617] {strides = array<i32>} : memref<128x32xf32, #tpu.memory_space<vmem>>, vector<1x16xf32>,
        %get3A_619 = vector.shape_cast %get3A_618 : vector<1x16xf32> to vector<16xf32>
        %get3A_620 = arith.index_cast %add3A_615 : i32 to index
        %get3A_621 = arith.constant 0 : index
        %get3A_622 = tpu.vector_load %arg10[%get3A_620, %get3A_621] {strides = array<i32>} : memref<128x32xf32, #tpu.memory_space<vmem>>, vector<1x16xf32>,
        %get3A_623 = vector.shape_cast %get3A_622 : vector<1x16xf32> to vector<16xf32>
        %sub3A_624 = arith.subf %get3A_623, %get3A_619 : vector<16xf32>
        %mul3A_625 = arith.mulf %broadcast_in_dim3A_613, %sub3A_624 : vector<16xf32>
        %add3A_626 = arith.addf %get3A_619, %mul3A_625 : vector<16xf32>
        %swap3A_627 = arith.index_cast %add3A_615 : i32 to index
        %swap3A_628 = arith.constant 0 : index
        %swap3A_629 = tpu.vector_load %arg11[%swap3A_627, %swap3A_628] {strides = array<i32>} : memref<128x32xf32, #tpu.memory_space<vmem>>, vector<1x16xf32>,
        %swap3A_630 = vector.shape_cast %swap3A_629 : vector<1x16xf32> to vector<16xf32>
        %swap3A_631 = vector.shape_cast %add3A_626 : vector<16xf32> to vector<1x16xf32>
        tpu.vector_store %arg11[%swap3A_627, %swap3A_628], %swap3A_631 {strides = array<i32>} : memref<128x32xf32, #tpu.memory_space<vmem>>, vector<1x16xf32>,
        %get3A_632 = arith.index_cast %add3A_615 : i32 to index
        %get3A_633 = arith.constant 16 : index
        %get3A_634 = tpu.vector_load %arg9[%get3A_632, %get3A_633] {strides = array<i32>} : memref<128x32xf32, #tpu.memory_space<vmem>>, vector<1x16xf32>,
        %get3A_635 = vector.shape_cast %get3A_634 : vector<1x16xf32> to vector<16xf32>
        %get3A_636 = arith.index_cast %add3A_615 : i32 to index
        %get3A_637 = arith.constant 16 : index
        %get3A_638 = tpu.vector_load %arg10[%get3A_636, %get3A_637] {strides = array<i32>} : memref<128x32xf32, #tpu.memory_space<vmem>>, vector<1x16xf32>,
        %get3A_639 = vector.shape_cast %get3A_638 : vector<1x16xf32> to vector<16xf32>
        %sub3A_640 = arith.subf %get3A_639, %get3A_635 : vector<16xf32>
        %mul3A_641 = arith.mulf %broadcast_in_dim3A_613, %sub3A_640 : vector<16xf32>
        %add3A_642 = arith.addf %get3A_635, %mul3A_641 : vector<16xf32>
        %swap3A_643 = arith.index_cast %add3A_615 : i32 to index
        %swap3A_644 = arith.constant 16 : index
        %swap3A_645 = tpu.vector_load %arg11[%swap3A_643, %swap3A_644] {strides = array<i32>} : memref<128x32xf32, #tpu.memory_space<vmem>>, vector<1x16xf32>,
        %swap3A_646 = vector.shape_cast %swap3A_645 : vector<1x16xf32> to vector<16xf32>
        %swap3A_647 = vector.shape_cast %add3A_642 : vector<16xf32> to vector<1x16xf32>
        tpu.vector_store %arg11[%swap3A_643, %swap3A_644], %swap3A_647 {strides = array<i32>} : memref<128x32xf32, #tpu.memory_space<vmem>>, vector<1x16xf32>,
        %slice3A_648 = vector.extract_strided_slice %get3A_241 {offsets = [11], sizes = [1], strides = [1]} : vector<16xf32> to vector<1xf32>
        %squeeze3A_649 = vector.extract %slice3A_648[0] : f32 from vector<1xf32>
        %broadcast_in_dim3A_650 = vector.broadcast %squeeze3A_649 : f32 to vector<16xf32>
        %add3A_651 = arith.constant 11 : i32
        %add3A_652 = arith.addi %mul3A_243, %add3A_651 : i32
        %get3A_653 = arith.index_cast %add3A_652 : i32 to index
        %get3A_654 = arith.constant 0 : index
        %get3A_655 = tpu.vector_load %arg9[%get3A_653, %get3A_654] {strides = array<i32>} : memref<128x32xf32, #tpu.memory_space<vmem>>, vector<1x16xf32>,
        %get3A_656 = vector.shape_cast %get3A_655 : vector<1x16xf32> to vector<16xf32>
        %get3A_657 = arith.index_cast %add3A_652 : i32 to index
        %get3A_658 = arith.constant 0 : index
        %get3A_659 = tpu.vector_load %arg10[%get3A_657, %get3A_658] {strides = array<i32>} : memref<128x32xf32, #tpu.memory_space<vmem>>, vector<1x16xf32>,
        %get3A_660 = vector.shape_cast %get3A_659 : vector<1x16xf32> to vector<16xf32>
        %sub3A_661 = arith.subf %get3A_660, %get3A_656 : vector<16xf32>
        %mul3A_662 = arith.mulf %broadcast_in_dim3A_650, %sub3A_661 : vector<16xf32>
        %add3A_663 = arith.addf %get3A_656, %mul3A_662 : vector<16xf32>
        %swap3A_664 = arith.index_cast %add3A_652 : i32 to index
        %swap3A_665 = arith.constant 0 : index
        %swap3A_666 = tpu.vector_load %arg11[%swap3A_664, %swap3A_665] {strides = array<i32>} : memref<128x32xf32, #tpu.memory_space<vmem>>, vector<1x16xf32>,
        %swap3A_667 = vector.shape_cast %swap3A_666 : vector<1x16xf32> to vector<16xf32>
        %swap3A_668 = vector.shape_cast %add3A_663 : vector<16xf32> to vector<1x16xf32>
        tpu.vector_store %arg11[%swap3A_664, %swap3A_665], %swap3A_668 {strides = array<i32>} : memref<128x32xf32, #tpu.memory_space<vmem>>, vector<1x16xf32>,
        %get3A_669 = arith.index_cast %add3A_652 : i32 to index
        %get3A_670 = arith.constant 16 : index
        %get3A_671 = tpu.vector_load %arg9[%get3A_669, %get3A_670] {strides = array<i32>} : memref<128x32xf32, #tpu.memory_space<vmem>>, vector<1x16xf32>,
        %get3A_672 = vector.shape_cast %get3A_671 : vector<1x16xf32> to vector<16xf32>
        %get3A_673 = arith.index_cast %add3A_652 : i32 to index
        %get3A_674 = arith.constant 16 : index
        %get3A_675 = tpu.vector_load %arg10[%get3A_673, %get3A_674] {strides = array<i32>} : memref<128x32xf32, #tpu.memory_space<vmem>>, vector<1x16xf32>,
        %get3A_676 = vector.shape_cast %get3A_675 : vector<1x16xf32> to vector<16xf32>
        %sub3A_677 = arith.subf %get3A_676, %get3A_672 : vector<16xf32>
        %mul3A_678 = arith.mulf %broadcast_in_dim3A_650, %sub3A_677 : vector<16xf32>
        %add3A_679 = arith.addf %get3A_672, %mul3A_678 : vector<16xf32>
        %swap3A_680 = arith.index_cast %add3A_652 : i32 to index
        %swap3A_681 = arith.constant 16 : index
        %swap3A_682 = tpu.vector_load %arg11[%swap3A_680, %swap3A_681] {strides = array<i32>} : memref<128x32xf32, #tpu.memory_space<vmem>>, vector<1x16xf32>,
        %swap3A_683 = vector.shape_cast %swap3A_682 : vector<1x16xf32> to vector<16xf32>
        %swap3A_684 = vector.shape_cast %add3A_679 : vector<16xf32> to vector<1x16xf32>
        tpu.vector_store %arg11[%swap3A_680, %swap3A_681], %swap3A_684 {strides = array<i32>} : memref<128x32xf32, #tpu.memory_space<vmem>>, vector<1x16xf32>,
        %slice3A_685 = vector.extract_strided_slice %get3A_241 {offsets = [12], sizes = [1], strides = [1]} : vector<16xf32> to vector<1xf32>
        %squeeze3A_686 = vector.extract %slice3A_685[0] : f32 from vector<1xf32>
        %broadcast_in_dim3A_687 = vector.broadcast %squeeze3A_686 : f32 to vector<16xf32>
        %add3A_688 = arith.constant 12 : i32
        %add3A_689 = arith.addi %mul3A_243, %add3A_688 : i32
        %get3A_690 = arith.index_cast %add3A_689 : i32 to index
        %get3A_691 = arith.constant 0 : index
        %get3A_692 = tpu.vector_load %arg9[%get3A_690, %get3A_691] {strides = array<i32>} : memref<128x32xf32, #tpu.memory_space<vmem>>, vector<1x16xf32>,
        %get3A_693 = vector.shape_cast %get3A_692 : vector<1x16xf32> to vector<16xf32>
        %get3A_694 = arith.index_cast %add3A_689 : i32 to index
        %get3A_695 = arith.constant 0 : index
        %get3A_696 = tpu.vector_load %arg10[%get3A_694, %get3A_695] {strides = array<i32>} : memref<128x32xf32, #tpu.memory_space<vmem>>, vector<1x16xf32>,
        %get3A_697 = vector.shape_cast %get3A_696 : vector<1x16xf32> to vector<16xf32>
        %sub3A_698 = arith.subf %get3A_697, %get3A_693 : vector<16xf32>
        %mul3A_699 = arith.mulf %broadcast_in_dim3A_687, %sub3A_698 : vector<16xf32>
        %add3A_700 = arith.addf %get3A_693, %mul3A_699 : vector<16xf32>
        %swap3A_701 = arith.index_cast %add3A_689 : i32 to index
        %swap3A_702 = arith.constant 0 : index
        %swap3A_703 = tpu.vector_load %arg11[%swap3A_701, %swap3A_702] {strides = array<i32>} : memref<128x32xf32, #tpu.memory_space<vmem>>, vector<1x16xf32>,
        %swap3A_704 = vector.shape_cast %swap3A_703 : vector<1x16xf32> to vector<16xf32>
        %swap3A_705 = vector.shape_cast %add3A_700 : vector<16xf32> to vector<1x16xf32>
        tpu.vector_store %arg11[%swap3A_701, %swap3A_702], %swap3A_705 {strides = array<i32>} : memref<128x32xf32, #tpu.memory_space<vmem>>, vector<1x16xf32>,
        %get3A_706 = arith.index_cast %add3A_689 : i32 to index
        %get3A_707 = arith.constant 16 : index
        %get3A_708 = tpu.vector_load %arg9[%get3A_706, %get3A_707] {strides = array<i32>} : memref<128x32xf32, #tpu.memory_space<vmem>>, vector<1x16xf32>,
        %get3A_709 = vector.shape_cast %get3A_708 : vector<1x16xf32> to vector<16xf32>
        %get3A_710 = arith.index_cast %add3A_689 : i32 to index
        %get3A_711 = arith.constant 16 : index
        %get3A_712 = tpu.vector_load %arg10[%get3A_710, %get3A_711] {strides = array<i32>} : memref<128x32xf32, #tpu.memory_space<vmem>>, vector<1x16xf32>,
        %get3A_713 = vector.shape_cast %get3A_712 : vector<1x16xf32> to vector<16xf32>
        %sub3A_714 = arith.subf %get3A_713, %get3A_709 : vector<16xf32>
        %mul3A_715 = arith.mulf %broadcast_in_dim3A_687, %sub3A_714 : vector<16xf32>
        %add3A_716 = arith.addf %get3A_709, %mul3A_715 : vector<16xf32>
        %swap3A_717 = arith.index_cast %add3A_689 : i32 to index
        %swap3A_718 = arith.constant 16 : index
        %swap3A_719 = tpu.vector_load %arg11[%swap3A_717, %swap3A_718] {strides = array<i32>} : memref<128x32xf32, #tpu.memory_space<vmem>>, vector<1x16xf32>,
        %swap3A_720 = vector.shape_cast %swap3A_719 : vector<1x16xf32> to vector<16xf32>
        %swap3A_721 = vector.shape_cast %add3A_716 : vector<16xf32> to vector<1x16xf32>
        tpu.vector_store %arg11[%swap3A_717, %swap3A_718], %swap3A_721 {strides = array<i32>} : memref<128x32xf32, #tpu.memory_space<vmem>>, vector<1x16xf32>,
        %slice3A_722 = vector.extract_strided_slice %get3A_241 {offsets = [13], sizes = [1], strides = [1]} : vector<16xf32> to vector<1xf32>
        %squeeze3A_723 = vector.extract %slice3A_722[0] : f32 from vector<1xf32>
        %broadcast_in_dim3A_724 = vector.broadcast %squeeze3A_723 : f32 to vector<16xf32>
        %add3A_725 = arith.constant 13 : i32
        %add3A_726 = arith.addi %mul3A_243, %add3A_725 : i32
        %get3A_727 = arith.index_cast %add3A_726 : i32 to index
        %get3A_728 = arith.constant 0 : index
        %get3A_729 = tpu.vector_load %arg9[%get3A_727, %get3A_728] {strides = array<i32>} : memref<128x32xf32, #tpu.memory_space<vmem>>, vector<1x16xf32>,
        %get3A_730 = vector.shape_cast %get3A_729 : vector<1x16xf32> to vector<16xf32>
        %get3A_731 = arith.index_cast %add3A_726 : i32 to index
        %get3A_732 = arith.constant 0 : index
        %get3A_733 = tpu.vector_load %arg10[%get3A_731, %get3A_732] {strides = array<i32>} : memref<128x32xf32, #tpu.memory_space<vmem>>, vector<1x16xf32>,
        %get3A_734 = vector.shape_cast %get3A_733 : vector<1x16xf32> to vector<16xf32>
        %sub3A_735 = arith.subf %get3A_734, %get3A_730 : vector<16xf32>
        %mul3A_736 = arith.mulf %broadcast_in_dim3A_724, %sub3A_735 : vector<16xf32>
        %add3A_737 = arith.addf %get3A_730, %mul3A_736 : vector<16xf32>
        %swap3A_738 = arith.index_cast %add3A_726 : i32 to index
        %swap3A_739 = arith.constant 0 : index
        %swap3A_740 = tpu.vector_load %arg11[%swap3A_738, %swap3A_739] {strides = array<i32>} : memref<128x32xf32, #tpu.memory_space<vmem>>, vector<1x16xf32>,
        %swap3A_741 = vector.shape_cast %swap3A_740 : vector<1x16xf32> to vector<16xf32>
        %swap3A_742 = vector.shape_cast %add3A_737 : vector<16xf32> to vector<1x16xf32>
        tpu.vector_store %arg11[%swap3A_738, %swap3A_739], %swap3A_742 {strides = array<i32>} : memref<128x32xf32, #tpu.memory_space<vmem>>, vector<1x16xf32>,
        %get3A_743 = arith.index_cast %add3A_726 : i32 to index
        %get3A_744 = arith.constant 16 : index
        %get3A_745 = tpu.vector_load %arg9[%get3A_743, %get3A_744] {strides = array<i32>} : memref<128x32xf32, #tpu.memory_space<vmem>>, vector<1x16xf32>,
        %get3A_746 = vector.shape_cast %get3A_745 : vector<1x16xf32> to vector<16xf32>
        %get3A_747 = arith.index_cast %add3A_726 : i32 to index
        %get3A_748 = arith.constant 16 : index
        %get3A_749 = tpu.vector_load %arg10[%get3A_747, %get3A_748] {strides = array<i32>} : memref<128x32xf32, #tpu.memory_space<vmem>>, vector<1x16xf32>,
        %get3A_750 = vector.shape_cast %get3A_749 : vector<1x16xf32> to vector<16xf32>
        %sub3A_751 = arith.subf %get3A_750, %get3A_746 : vector<16xf32>
        %mul3A_752 = arith.mulf %broadcast_in_dim3A_724, %sub3A_751 : vector<16xf32>
        %add3A_753 = arith.addf %get3A_746, %mul3A_752 : vector<16xf32>
        %swap3A_754 = arith.index_cast %add3A_726 : i32 to index
        %swap3A_755 = arith.constant 16 : index
        %swap3A_756 = tpu.vector_load %arg11[%swap3A_754, %swap3A_755] {strides = array<i32>} : memref<128x32xf32, #tpu.memory_space<vmem>>, vector<1x16xf32>,
        %swap3A_757 = vector.shape_cast %swap3A_756 : vector<1x16xf32> to vector<16xf32>
        %swap3A_758 = vector.shape_cast %add3A_753 : vector<16xf32> to vector<1x16xf32>
        tpu.vector_store %arg11[%swap3A_754, %swap3A_755], %swap3A_758 {strides = array<i32>} : memref<128x32xf32, #tpu.memory_space<vmem>>, vector<1x16xf32>,
        %slice3A_759 = vector.extract_strided_slice %get3A_241 {offsets = [14], sizes = [1], strides = [1]} : vector<16xf32> to vector<1xf32>
        %squeeze3A_760 = vector.extract %slice3A_759[0] : f32 from vector<1xf32>
        %broadcast_in_dim3A_761 = vector.broadcast %squeeze3A_760 : f32 to vector<16xf32>
        %add3A_762 = arith.constant 14 : i32
        %add3A_763 = arith.addi %mul3A_243, %add3A_762 : i32
        %get3A_764 = arith.index_cast %add3A_763 : i32 to index
        %get3A_765 = arith.constant 0 : index
        %get3A_766 = tpu.vector_load %arg9[%get3A_764, %get3A_765] {strides = array<i32>} : memref<128x32xf32, #tpu.memory_space<vmem>>, vector<1x16xf32>,
        %get3A_767 = vector.shape_cast %get3A_766 : vector<1x16xf32> to vector<16xf32>
        %get3A_768 = arith.index_cast %add3A_763 : i32 to index
        %get3A_769 = arith.constant 0 : index
        %get3A_770 = tpu.vector_load %arg10[%get3A_768, %get3A_769] {strides = array<i32>} : memref<128x32xf32, #tpu.memory_space<vmem>>, vector<1x16xf32>,
        %get3A_771 = vector.shape_cast %get3A_770 : vector<1x16xf32> to vector<16xf32>
        %sub3A_772 = arith.subf %get3A_771, %get3A_767 : vector<16xf32>
        %mul3A_773 = arith.mulf %broadcast_in_dim3A_761, %sub3A_772 : vector<16xf32>
        %add3A_774 = arith.addf %get3A_767, %mul3A_773 : vector<16xf32>
        %swap3A_775 = arith.index_cast %add3A_763 : i32 to index
        %swap3A_776 = arith.constant 0 : index
        %swap3A_777 = tpu.vector_load %arg11[%swap3A_775, %swap3A_776] {strides = array<i32>} : memref<128x32xf32, #tpu.memory_space<vmem>>, vector<1x16xf32>,
        %swap3A_778 = vector.shape_cast %swap3A_777 : vector<1x16xf32> to vector<16xf32>
        %swap3A_779 = vector.shape_cast %add3A_774 : vector<16xf32> to vector<1x16xf32>
        tpu.vector_store %arg11[%swap3A_775, %swap3A_776], %swap3A_779 {strides = array<i32>} : memref<128x32xf32, #tpu.memory_space<vmem>>, vector<1x16xf32>,
        %get3A_780 = arith.index_cast %add3A_763 : i32 to index
        %get3A_781 = arith.constant 16 : index
        %get3A_782 = tpu.vector_load %arg9[%get3A_780, %get3A_781] {strides = array<i32>} : memref<128x32xf32, #tpu.memory_space<vmem>>, vector<1x16xf32>,
        %get3A_783 = vector.shape_cast %get3A_782 : vector<1x16xf32> to vector<16xf32>
        %get3A_784 = arith.index_cast %add3A_763 : i32 to index
        %get3A_785 = arith.constant 16 : index
        %get3A_786 = tpu.vector_load %arg10[%get3A_784, %get3A_785] {strides = array<i32>} : memref<128x32xf32, #tpu.memory_space<vmem>>, vector<1x16xf32>,
        %get3A_787 = vector.shape_cast %get3A_786 : vector<1x16xf32> to vector<16xf32>
        %sub3A_788 = arith.subf %get3A_787, %get3A_783 : vector<16xf32>
        %mul3A_789 = arith.mulf %broadcast_in_dim3A_761, %sub3A_788 : vector<16xf32>
        %add3A_790 = arith.addf %get3A_783, %mul3A_789 : vector<16xf32>
        %swap3A_791 = arith.index_cast %add3A_763 : i32 to index
        %swap3A_792 = arith.constant 16 : index
        %swap3A_793 = tpu.vector_load %arg11[%swap3A_791, %swap3A_792] {strides = array<i32>} : memref<128x32xf32, #tpu.memory_space<vmem>>, vector<1x16xf32>,
        %swap3A_794 = vector.shape_cast %swap3A_793 : vector<1x16xf32> to vector<16xf32>
        %swap3A_795 = vector.shape_cast %add3A_790 : vector<16xf32> to vector<1x16xf32>
        tpu.vector_store %arg11[%swap3A_791, %swap3A_792], %swap3A_795 {strides = array<i32>} : memref<128x32xf32, #tpu.memory_space<vmem>>, vector<1x16xf32>,
        %slice3A_796 = vector.extract_strided_slice %get3A_241 {offsets = [15], sizes = [1], strides = [1]} : vector<16xf32> to vector<1xf32>
        %squeeze3A_797 = vector.extract %slice3A_796[0] : f32 from vector<1xf32>
        %broadcast_in_dim3A_798 = vector.broadcast %squeeze3A_797 : f32 to vector<16xf32>
        %add3A_799 = arith.constant 15 : i32
        %add3A_800 = arith.addi %mul3A_243, %add3A_799 : i32
        %get3A_801 = arith.index_cast %add3A_800 : i32 to index
        %get3A_802 = arith.constant 0 : index
        %get3A_803 = tpu.vector_load %arg9[%get3A_801, %get3A_802] {strides = array<i32>} : memref<128x32xf32, #tpu.memory_space<vmem>>, vector<1x16xf32>,
        %get3A_804 = vector.shape_cast %get3A_803 : vector<1x16xf32> to vector<16xf32>
        %get3A_805 = arith.index_cast %add3A_800 : i32 to index
        %get3A_806 = arith.constant 0 : index
        %get3A_807 = tpu.vector_load %arg10[%get3A_805, %get3A_806] {strides = array<i32>} : memref<128x32xf32, #tpu.memory_space<vmem>>, vector<1x16xf32>,
        %get3A_808 = vector.shape_cast %get3A_807 : vector<1x16xf32> to vector<16xf32>
        %sub3A_809 = arith.subf %get3A_808, %get3A_804 : vector<16xf32>
        %mul3A_810 = arith.mulf %broadcast_in_dim3A_798, %sub3A_809 : vector<16xf32>
        %add3A_811 = arith.addf %get3A_804, %mul3A_810 : vector<16xf32>
        %swap3A_812 = arith.index_cast %add3A_800 : i32 to index
        %swap3A_813 = arith.constant 0 : index
        %swap3A_814 = tpu.vector_load %arg11[%swap3A_812, %swap3A_813] {strides = array<i32>} : memref<128x32xf32, #tpu.memory_space<vmem>>, vector<1x16xf32>,
        %swap3A_815 = vector.shape_cast %swap3A_814 : vector<1x16xf32> to vector<16xf32>
        %swap3A_816 = vector.shape_cast %add3A_811 : vector<16xf32> to vector<1x16xf32>
        tpu.vector_store %arg11[%swap3A_812, %swap3A_813], %swap3A_816 {strides = array<i32>} : memref<128x32xf32, #tpu.memory_space<vmem>>, vector<1x16xf32>,
        %get3A_817 = arith.index_cast %add3A_800 : i32 to index
        %get3A_818 = arith.constant 16 : index
        %get3A_819 = tpu.vector_load %arg9[%get3A_817, %get3A_818] {strides = array<i32>} : memref<128x32xf32, #tpu.memory_space<vmem>>, vector<1x16xf32>,
        %get3A_820 = vector.shape_cast %get3A_819 : vector<1x16xf32> to vector<16xf32>
        %get3A_821 = arith.index_cast %add3A_800 : i32 to index
        %get3A_822 = arith.constant 16 : index
        %get3A_823 = tpu.vector_load %arg10[%get3A_821, %get3A_822] {strides = array<i32>} : memref<128x32xf32, #tpu.memory_space<vmem>>, vector<1x16xf32>,
        %get3A_824 = vector.shape_cast %get3A_823 : vector<1x16xf32> to vector<16xf32>
        %sub3A_825 = arith.subf %get3A_824, %get3A_820 : vector<16xf32>
        %mul3A_826 = arith.mulf %broadcast_in_dim3A_798, %sub3A_825 : vector<16xf32>
        %add3A_827 = arith.addf %get3A_820, %mul3A_826 : vector<16xf32>
        %swap3A_828 = arith.index_cast %add3A_800 : i32 to index
        %swap3A_829 = arith.constant 16 : index
        %swap3A_830 = tpu.vector_load %arg11[%swap3A_828, %swap3A_829] {strides = array<i32>} : memref<128x32xf32, #tpu.memory_space<vmem>>, vector<1x16xf32>,
        %swap3A_831 = vector.shape_cast %swap3A_830 : vector<1x16xf32> to vector<16xf32>
        %swap3A_832 = vector.shape_cast %add3A_827 : vector<16xf32> to vector<1x16xf32>
        tpu.vector_store %arg11[%swap3A_828, %swap3A_829], %swap3A_832 {strides = array<i32>} : memref<128x32xf32, #tpu.memory_space<vmem>>, vector<1x16xf32>,
        %scan3A_833 = arith.constant 0 : i32
        scf.yield %scan3A_833 : i32
      }
      %scan3A_231 = arith.constant 8 : i32
      %mul3A_232 = arith.constant 32 : i32
      %mul3A_233 = arith.muli %scan3A_9, %mul3A_232 : i32
      "tpu.region"() ({
        %run_scoped3A = tpu.sem_alloc : memref<!tpu.dma_semaphore, #tpu.memory_space<semaphore_mem>>
        %dma_start3A_235 = tpu.memref_slice %arg4[%mul3A_2, %mul3A_233] : memref<4096x832xf32, #tpu.memory_space<hbm>> -> memref<128x32xf32, #tpu.memory_space<hbm>>
        %dma_start3A_236 = tpu.memref_slice %arg4[%mul3A_2, %mul3A_233] : memref<4096x832xf32, #tpu.memory_space<hbm>> -> memref<128x32xf32, #tpu.memory_space<hbm>>
        tpu.enqueue_dma source(%arg11 : memref<128x32xf32, #tpu.memory_space<vmem>>) target(%dma_start3A_236 : memref<128x32xf32, #tpu.memory_space<hbm>>) target_semaphore(%run_scoped3A : memref<!tpu.dma_semaphore, #tpu.memory_space<semaphore_mem>>)
        %dma_wait3A_237 = tpu.memref_slice %arg4[%mul3A_2, %mul3A_233] : memref<4096x832xf32, #tpu.memory_space<hbm>> -> memref<128x32xf32, #tpu.memory_space<hbm>>
        %dma_wait3A_238 = tpu.memref_slice %arg4[%mul3A_2, %mul3A_233] : memref<4096x832xf32, #tpu.memory_space<hbm>> -> memref<128x32xf32, #tpu.memory_space<hbm>>
        tpu.wait_dma2 semaphore(%run_scoped3A : memref<!tpu.dma_semaphore, #tpu.memory_space<semaphore_mem>>) src(%arg11 : memref<128x32xf32, #tpu.memory_space<vmem>>) dst(%dma_wait3A_238 : memref<128x32xf32, #tpu.memory_space<hbm>>)
        tpu.yield
      }) : () -> ()
      %scan3A_234 = arith.constant 0 : i32
      scf.yield %scan3A_234 : i32
    }
    %scan3A_8 = arith.constant 26 : i32
    return
  }
}

</mosaic_0001>

<sc_bundles>
// kernel: kernel.3.cloned.1.call-start
scs
__scs_entry_jumppad:
0x0: {  	(pc) =	sbr.rel $0x88, $3  }
0x1: {  	(tag) =	ssettag $0x0;
	lr =	simm.s32 $0x1  }
0x2: {  	[smem:$0x3F9F] =	sst lr;
	_ =	strace $0xD0000000  }
0x3: {  	_ = 	snop  }
0x4: {  	_ = 	snop  }
0x5: {  	_ = 	snop  }
0x6: {  	_ = 	snop  }
0x7: {  	_ = 	snop  }
__scs_overlays_trampoline_lowered:
0x8: {  	[smem:$0x3FAE] =	sst s0  }
0x9: {  	[smem:$0x3FAF] =	sst s1  }
0xa: {  	[smem:$0x3FB0] =	sst s2  }
0xb: {  	[smem:$0x3FB1] =	sst s3  }
0xc: {  	[smem:$0x3FB2] =	sst s4  }
0xd: {  	[smem:$0x3FB3] =	sst s5  }
0xe: {  	[smem:$0x3FB4] =	sst s6  }
0xf: {  	[smem:$0x3FB5] =	sst s7  }
0x10: {  	[smem:$0x3FB6] =	sst s8  }
0x11: {  	[smem:$0x3FB7] =	sst s9;
	s0 =	simm.s32 @!p0 $0x0  }
0x12: {  	s1 =	sld [smem:$0x3F9D];
	s0 =	simm.s32 @p0 $0x1  }
0x13: {  	[smem:$0x3FB8] =	sst s0;
	s0 =	simm.s32 @!p1 $0x0  }
0x14: {  	s2 =	sld [smem:$0x3F9C];
	s0 =	simm.s32 @p1 $0x1  }
0x15: {  	[smem:$0x3FB9] =	sst s0;
	s0 =	simm.s32 @!p2 $0x0  }
0x16: {  	s3 =	sld [smem:$0x3FDB];
	s0 =	simm.s32 @p2 $0x1  }
0x17: {  	s4 =	simm.s32 $0x1BF5;
	[smem:$0x3FBB] =	sst s0  }
0x18: {  	s0 =	sld [smem:$0x3F9E];
	_ =	swait.ge [sflag:s4], $0x0  }
0x19: {  	s7 =	sld [smem:$0x3F9F]  }
0x1a: {  	s8 =	sadd.s32 $0xFFFFE003, lr  }
0x1b: {  	s9 =	sadd.s32 $0xFFFFFEF7, lr;
	s5 =	simm.s32 $0xFFFFFFFF;
	p2 =	slt.u32 s8, $0xFFFFF086  }
0x1c: {  	p1 =	slt.u32 s9, $0xF7A;
	s5 =	simm.s32 @!p2 $0x0  }
0x1d: {  	s5 =	simm.s32 @p1 $0x1;
	p0 =	seq.s32 s7, s2  }
0x1e: {  	s7 =	smul.u32 @!p0 $0xF7A, s2;
	p2 =	seq.s32 @!p0 s5, $0x0  }
0x1f: {  	s9 =	smul.u32 $0xF7A, s1;
	s8 =	simm.s32 @!p0 $0x1BF5;
	p2 =	por !p2, p0  }
0x20: {  	[sflag:s8] =	ssyncset.s32 @!p0 $0xFFFFF086;
	s6 =	sadd.s32 @!p0 s3, s7;
	s7 =	simm.s32 @!p0 $0x108  }
0x21: {  	s3 =	sadd.s32 s3, s9;
	s6 =	sadd.s32 @!p0 $0x88, s6;
	s7 =	simm.s32 @p2 $0x1082  }
0x22: {  	[simem:s7], [sflag:s8] =	dma.local @!p0 [hbm:s6], $0xF7A  }
0x23: {  	s9 =	sor.u32 $0xD0000000, s2;
	s6 =	simm.s32 $0x108;
	_ =	swait.ge @!p0 [sflag:s8], $0x0  }
0x24: {  	s3 =	sadd.s32 $0x88, s3;
	s6 =	simm.s32 @!p1 $0x1082;
	[sflag:s4] =	ssyncset.s32 $0xFFFFF086  }
0x25: {  	[simem:s6], [sflag:s4] =	dma.local [hbm:s3], $0xF7A  }
0x26: {  	[smem:$0x3F9F] =	sst s1;
	(tag) =	ssettag s2;
	_ =	strace s9  }
0x27: {  	s1 =	sld [smem:$0x3FAF]  }
0x28: {  	s2 =	sld [smem:$0x3FB0]  }
0x29: {  	s4 =	sld [smem:$0x3FB2]  }
0x2a: {  	p0 =	seq.s32 s5, $0x0;
	s5 =	sld [smem:$0x3FB3]  }
0x2b: {  	s6 =	sld [smem:$0x3FB4]  }
0x2c: {  	s7 =	sld [smem:$0x3FB5]  }
0x2d: {  	s3 =	simm.s32 $0x108;
	s8 =	sld [smem:$0x3FB6]  }
0x2e: {  	s3 =	simm.s32 @!p0 $0x1082;
	s9 =	sld [smem:$0x3FB7]  }
0x2f: {  	lr =	sadd.s32 s0, s3;
	s0 =	sld [smem:$0x3FAE]  }
0x30: {  	s3 =	sld [smem:$0x3FB1]  }
0x31: {  	[smem:$0x3FBA] =	sst s10  }
0x32: {  	s10 =	sld [smem:$0x3FB8];
	_ =	sdelay $0x3  }
0x33: {  	p0 =	seq.s32 s10, $0x1;
	s10 =	sld [smem:$0x3FBA];
	_ =	sdelay $0x3  }
0x34: {  	[smem:$0x3FBA] =	sst s10  }
0x35: {  	s10 =	sld [smem:$0x3FB9];
	_ =	sdelay $0x3  }
0x36: {  	p1 =	seq.s32 s10, $0x1;
	s10 =	sld [smem:$0x3FBA];
	_ =	sdelay $0x3  }
0x37: {  	[smem:$0x3FBA] =	sst s10  }
0x38: {  	s10 =	sld [smem:$0x3FBB]  }
0x39: {  	_ = 	snop;
	(pc) =	sbr.ind lr, $3  }
0x3a: {  	_ = 	snop  }
0x3b: {  	_ = 	snop  }
0x3c: {  	p2 =	seq.s32 s10, $0x1;
	s10 =	sld [smem:$0x3FBA]  }
0x3d: {  	_ =	shalt  }
0x3e: {  	_ =	shalt  }
0x3f: {  	_ =	shalt  }
0x40: {  	_ =	shalt  }
0x41: {  	_ =	shalt  }
0x42: {  	_ =	shalt  }
0x43: {  	_ =	shalt  }
0x44: {  	_ =	shalt  }
0x45: {  	_ =	shalt  }
0x46: {  	_ =	shalt  }
0x47: {  	_ =	shalt  }
0x48: {  	_ =	shalt  }
0x49: {  	_ =	shalt  }
0x4a: {  	_ =	shalt  }
0x4b: {  	_ =	shalt  }
0x4c: {  	_ =	shalt  }
0x4d: {  	_ =	shalt  }
0x4e: {  	_ =	shalt  }
0x4f: {  	_ =	shalt  }
0x50: {  	_ =	shalt  }
0x51: {  	_ =	shalt  }
0x52: {  	_ =	shalt  }
0x53: {  	_ =	shalt  }
0x54: {  	_ =	shalt  }
0x55: {  	_ =	shalt  }
0x56: {  	_ =	shalt  }
0x57: {  	_ =	shalt  }
0x58: {  	_ =	shalt  }
0x59: {  	_ =	shalt  }
0x5a: {  	_ =	shalt  }
0x5b: {  	_ =	shalt  }
0x5c: {  	_ =	shalt  }
0x5d: {  	_ =	shalt  }
0x5e: {  	_ =	shalt  }
0x5f: {  	_ =	shalt  }
0x60: {  	_ =	shalt  }
0x61: {  	_ =	shalt  }
0x62: {  	_ =	shalt  }
0x63: {  	_ =	shalt  }
0x64: {  	_ =	shalt  }
0x65: {  	_ =	shalt  }
0x66: {  	_ =	shalt  }
0x67: {  	_ =	shalt  }
0x68: {  	_ =	shalt  }
0x69: {  	_ =	shalt  }
0x6a: {  	_ =	shalt  }
0x6b: {  	_ =	shalt  }
0x6c: {  	_ =	shalt  }
0x6d: {  	_ =	shalt  }
0x6e: {  	_ =	shalt  }
0x6f: {  	_ =	shalt  }
0x70: {  	_ =	shalt  }
0x71: {  	_ =	shalt  }
0x72: {  	_ =	shalt  }
0x73: {  	_ =	shalt  }
0x74: {  	_ =	shalt  }
0x75: {  	_ =	shalt  }
0x76: {  	_ =	shalt  }
0x77: {  	_ =	shalt  }
0x78: {  	_ =	shalt  }
0x79: {  	_ =	shalt  }
0x7a: {  	_ =	shalt  }
0x7b: {  	_ =	shalt  }
0x7c: {  	_ =	shalt  }
0x7d: {  	_ =	shalt  }
0x7e: {  	_ =	shalt  }
0x7f: {  	_ =	shalt  }
0x80: {  	_ =	shalt  }
0x81: {  	_ =	shalt  }
0x82: {  	_ =	shalt  }
0x83: {  	_ =	shalt  }
0x84: {  	_ =	shalt  }
0x85: {  	_ =	shalt  }
0x86: {  	_ =	shalt  }
0x87: {  	_ =	shalt  }
.Lfunc_end0:
.L_simem_size_0:
called_computation_lowered:
.L_overlay_start_0:
0x88: {  	s2 =	sld [smem:$0x3FD9]  }
0x89: {  	s3 =	sld [smem:$0x3FFE];
	_ =	sdelay $0x1  }
0x8a: {  	s1 =	srdreg.scid  }
0x8b: {  	s0 =	sand.u32 $0x1, s1  }
0x8c: {  	s17 =	sshll.u32 s0, $0xA;
	s2 =	sadd.s32 s3, s2  }
0x8d: {  	s2 =	sadd.s32 s2, s17  }
0x8e: {  	[smem:$0x3FC6] =	sst s2  }
0x8f: {  	_ = 	snop  }
0x90: {  	s2 =	sld [smem:$0x3FD0];
	(tm) =	ssettm $0x1  }
0x91: {  	s18 =	sld [smem:$0x3FFB];
	_ =	sdelay $0x3  }
0x92: {  	_ =	strace s18  }
0x93: {  	s3 =	sld [smem:$0x3FFC];
	_ =	sdelay $0x3  }
0x94: {  	_ =	strace s3  }
0x95: {  	s3 =	sld [smem:$0x3FFD];
	_ =	sdelay $0x3  }
0x96: {  	_ =	strace s3  }
0x97: {  	_ =	strace $0x8FFFFFFF  }
0x98: {  	s19 =	sld [smem:$0x3FDB];
	_ =	sdelay $0x1  }
0x99: {  	s4 =	simm.s32 $_scs_section_size  }
0x9a: {  	s5 =	simm.s32 $_size__tile_overlayer_lowered;
	s6 =	simm.s32 $_tile_overlayer_lowered  }
0x9b: {  	s22 =	simm.s32 $0x1BFF;
	s21 =	sshll.u32 s6, $0x1;
	s3 =	sadd.s32 s4, s19  }
0x9c: {  	s7 =	simm.s32 $0x0;
	s20 =	sshll.u32 s5, $0x1;
	s5 =	sadd.s32 s21, s3  }
0x9d: {  	[timem:s7], [sflag:s22] =	dma.local [hbm:s5], s20  }
0x9e: {  	_ =	swait.ge [sflag:s22], s20  }
0x9f: {  	s4 =	ssub.s32 $0x0, s20;
	[sflag:s22] =	ssyncset.done $0x0  }
0xa0: {  	[sflag:s22] =	ssyncadd.s32 s4;
	_ =	sdelay $0x1  }
0xa1: {  	s23 =	simm.s32 $0x1B8B  }
0xa2: {  	_ =	swait.ge [sflag:s23], $0x1  }
0xa3: {  	[sflag:s23] =	ssyncset.done $0x0  }
0xa4: {  	s25 =	simm.s32 $0x1B8E;
	s24 =	sld [smem:$0x3FFE];
	[sflag:s23] =	ssyncadd.s32 $0xFFFFFFFF  }
0xa5: {  	s26 =	simm.s32 $execute0_lowered;
	[smem:$0x3FD2] =	sst s25  }
0xa6: {  	s5 =	sshll.u32 s26, $0x1;
	_ =	strace $0x80000046;
	[dreg:$0x1] =	wrdreg $0xFFFFFFFF  }
0xa7: {  	s28 =	simm.s32 $_size_execute0_lowered;
	s3 =	sadd.s32 s3, s5;
	[dreg:$0x0] =	wrdreg $0x0  }
0xa8: {  	s5 =	sshll.u32 s28, $0x1;
	[dreg:$0x2] =	wrdreg s3  }
0xa9: {  	[dreg:$0x3] =	wrdreg s5  }
0xaa: {  	[dreg:$0x4] =	wrdreg $0xC0  }
0xab: {  	_ =	task [dreg:s7], $0x5FFFF  }
0xac: {  	[dreg:$0x1] =	wrdreg $0xFFFFFFFF  }
0xad: {  	[dreg:$0x0] =	wrdreg $0x60  }
0xae: {  	[dreg:$0x2] =	wrdreg s24  }
0xaf: {  	[dreg:$0x3] =	wrdreg s2  }
0xb0: {  	[dreg:$0x4] =	wrdreg $0x9  }
0xb1: {  	_ =	task.clear_ibuf [dreg:s7], $0x5FFFF;
	_ =	strace $0x90000046  }
0xb2: {  	s29 =	simm.s32 $0x9;
	_ =	strace $0x80000048  }
0xb3: {  	_ =	swait.ge [sflag:s29], $0x1  }
0xb4: {  	[sflag:s29] =	ssyncadd.s32 $0xFFFFFFFF  }
0xb5: {  	_ =	strace $0x90000048  }
0xb6: {  	_ =	sfence  }
0xb7: {  	s30 =	sld [smem:$0x0];
	_ =	sdelay $0x2  }
0xb8: {  	s31 =	sshll.u32 s1, $0xD;
	s1 =	sshrl.u32 s1, $0x2  }
0xb9: {  	s3 =	sand.u32 $0x4000, s31;
	s1 =	sadd.s32 s1, s30  }
0xba: {  	s0 =	sor.u32 s3, s0;
	s1 =	sshll.u32 s1, $0x11  }
0xbb: {  	s0 =	sor.u32 s1, s0  }
0xbc: {  	s0 =	sadd.s32 $0x8F2B, s0  }
0xbd: {  	[sflag:s0] =	ssyncadd.remote.s32 $0x1  }
0xbe: {  	_ =	sfence.sel $0xFFFF  }
0xbf: {  	[dreg:$0x0] =	wrdreg $0xFFFFFFFF;
	(pc) =	sbr.abs _section_cstart, $3  }
0xc0: {  	[dreg:$0x1] =	wrdreg $0xFFFFFFFF  }
0xc1: {  	_ =	task.clear_ibuf [dreg:s7], $0x2FFFF;
	_ =	strace $0x9FFFFFFF  }
0xc2: {  	(tm) =	ssettm $0x7FFFFFFF  }
0xc3: {  	_ =	shalt  }
tec
execute0_lowered:
.L_overlay_start_1:
0x0: {  	(tag) =	ssettag $0x1  }
0x1: {  	s5 =	rddreg [dreg:$0x0]  }
0x2: {  	s1 =	rddreg [dreg:$0x1]  }
0x3: {  	s0 =	rddreg [dreg:$0x2];
	s2 =	simm.s32 $0x0;
	s3 =	srdreg.scid  }
0x4: {  	s10 =	simm.s32 $0x80;
	s11 =	simm.s32 $0x200;
	s12 =	simm.s32 $0x100  }
0x5: {  	s13 =	simm.s32 $0x1200;
	s14 =	simm.s32 $0x1;
	s15 =	simm.s32 $0x2  }
0x6: {  	s16 =	simm.s32 $0x20;
	s17 =	simm.s32 $0x340;
	s18 =	simm.s32 $0x2200  }
0x7: {  	[smem:$0x7FF] =	sst s2;
	s6 =	sand.u32 $0x1, s3;
	s4 =	sadd.s32 $0x600, s5  }
0x8: {  	s3 =	stileid.u32;
	s5 =	sadd.s32 $0x27ACA00, s5;
	s7 =	ssub.s32 $0x2, s6  }
0x9: {  	s9 =	sshll.u32 s3, $0x8;
	s6 =	sshll.u32 s6, $0x7;
	s8 =	sshrl.u32 s7, $0x1  }
0xa: {  	_ =	strace $0x80000047;
	s6 =	sor.u32 s6, s9;
	s8 =	ssub.s32 s7, s8  }
0xb: {  	s9 =	simm.s32 $0x3;
	s7 =	smul.u32 $0x340, s6;
	s8 =	smax.u32 s8, $0x1  }
.LBB2_1:
0xc: {  	s19 =	simm.s32 $0x0  }
.LBB2_2:
0xd: {  	s20 =	sshll.u32 s19, $0xC  }
0xe: {  	s20 =	sor.u32 s6, s20  }
0xf: {  	s20 =	sshrl.u32 s20, $0x3  }
0x10: {  	s21 =	simm.s32 $0x0;
	s20 =	sadd.s32 s4, s20  }
0x11: {  	[tilespmem:s21], [sflag:$0x3] =	stream.linear.gather [hbm4b:s20+s21], $0x80, $0x38;
	[tilespmem:$0x3200] =	vst v63  }
0x12: {  	_ =	swait.ge [sflag:s9], $0x80  }
0x13: {  	[sflag:s9] =	ssyncset.done $0x0  }
0x14: {  	[sflag:s9] =	ssyncadd.s32 $0xFFFFFF80  }
0x15: {  	v0 =	vld [tilespmem:$0x0];
	_ =	sdelay $0x1  }
0x16: {  	v1 =	vld [tilespmem:$0x10];
	_ =	sdelay $0x2  }
0x17: {  	v0 =	vmul.f32 $9.999900000e+04, v0  }
0x18: {  	v2 =	vld [tilespmem:$0x20]  }
0x19: {  	v1 =	vmul.f32 $9.999900000e+04, v1;
	v3 =	vtrunc.f32 v0  }
0x1a: {  	v4 =	vld [tilespmem:$0x30];
	v3 =	vcvt.f32.s32 v3  }
0x1b: {  	v6 =	vtrunc.f32 v1  }
0x1c: {  	v6 =	vcvt.f32.s32 v6;
	v5 =	vcvt.s32.f32 v3  }
0x1d: {  	v2 =	vmul.f32 $9.999900000e+04, v2;
	[tilespmem:$0x80] =	vst v3;
	v3 =	vadd.s32 $0x1, v3  }
0x1e: {  	[tilespmem:$0x100] =	vst v3;
	v3 =	vcvt.s32.f32 v6;
	v0 =	vsub.f32 v0, v5;
	v5 =	vld [tilespmem:$0x40]  }
0x1f: {  	v4 =	vmul.f32 $9.999900000e+04, v4;
	v7 =	vtrunc.f32 v2;
	[tilespmem:$0x90] =	vst v6  }
0x20: {  	v1 =	vsub.f32 v1, v3;
	v3 =	vadd.s32 $0x1, v6;
	v6 =	vld [tilespmem:$0x50];
	[tilespmem:$0x180] =	vst v0;
	v0 =	vcvt.f32.s32 v7  }
0x21: {  	[tilespmem:$0x110] =	vst v3;
	v7 =	vtrunc.f32 v4  }
0x22: {  	[tilespmem:$0x190] =	vst v1;
	v1 =	vcvt.f32.s32 v7;
	v3 =	vcvt.s32.f32 v0  }
0x23: {  	[tilespmem:$0xA0] =	vst v0;
	v0 =	vadd.s32 $0x1, v0;
	v5 =	vmul.f32 $9.999900000e+04, v5  }
0x24: {  	[tilespmem:$0x120] =	vst v0;
	v0 =	vcvt.s32.f32 v1;
	v2 =	vsub.f32 v2, v3;
	v3 =	vld [tilespmem:$0x60]  }
0x25: {  	[tilespmem:$0xB0] =	vst v1;
	v6 =	vmul.f32 $9.999900000e+04, v6;
	v7 =	vtrunc.f32 v5  }
0x26: {  	v1 =	vadd.s32 $0x1, v1;
	v0 =	vsub.f32 v4, v0;
	v4 =	vld [tilespmem:$0x70];
	[tilespmem:$0x1A0] =	vst v2;
	v2 =	vcvt.f32.s32 v7  }
0x27: {  	[tilespmem:$0x130] =	vst v1;
	v7 =	vtrunc.f32 v6  }
0x28: {  	[tilespmem:$0x1B0] =	vst v0;
	v0 =	vcvt.f32.s32 v7;
	v1 =	vcvt.s32.f32 v2  }
0x29: {  	[tilespmem:$0xC0] =	vst v2;
	v2 =	vadd.s32 $0x1, v2;
	v3 =	vmul.f32 $9.999900000e+04, v3  }
0x2a: {  	[tilespmem:$0x140] =	vst v2;
	v2 =	vcvt.s32.f32 v0;
	v1 =	vsub.f32 v5, v1  }
0x2b: {  	[tilespmem:$0xD0] =	vst v0;
	v4 =	vmul.f32 $9.999900000e+04, v4;
	v5 =	vtrunc.f32 v3  }
0x2c: {  	v0 =	vadd.s32 $0x1, v0;
	v2 =	vsub.f32 v6, v2;
	[tilespmem:$0x1C0] =	vst v1;
	v1 =	vcvt.f32.s32 v5  }
0x2d: {  	[tilespmem:$0x150] =	vst v0;
	v5 =	vtrunc.f32 v4  }
0x2e: {  	[tilespmem:$0x1D0] =	vst v2;
	v2 =	vcvt.f32.s32 v5;
	v0 =	vcvt.s32.f32 v1  }
0x2f: {  	[tilespmem:$0xE0] =	vst v1;
	v1 =	vadd.s32 $0x1, v1  }
0x30: {  	[tilespmem:$0x160] =	vst v1;
	v1 =	vcvt.s32.f32 v2;
	v0 =	vsub.f32 v3, v0  }
0x31: {  	[tilespmem:$0xF0] =	vst v2  }
0x32: {  	s31 =	smul.u32 $0x61A80, s19;
	[tilespmem:$0x1E0] =	vst v0;
	v0 =	vsub.f32 v4, v1;
	v1 =	vadd.s32 $0x1, v2  }
0x33: {  	[tilespmem:$0x170] =	vst v1  }
0x34: {  	s20 =	sadd.s32 s5, s31;
	[tilespmem:$0x1F0] =	vst v0  }
0x35: {  	[tilespmem:s11], [sflag:$0x1] =	stream.indirect.gather [hbm4b:s20+s10], $0x20, s10, s10, $0xb8;
	[tilespmem:$0x3200] =	vst v63  }
0x36: {  	_ = 	snop  }
0x37: {  	[tilespmem:s13], [sflag:$0x2] =	stream.indirect.gather [hbm4b:s20+s10], $0x20, s12, s10, $0xb8;
	[tilespmem:$0x3200] =	vst v63  }
0x38: {  	_ =	swait.ge [sflag:s14], $0x1000  }
0x39: {  	[sflag:s14] =	ssyncset.done $0x0  }
0x3a: {  	[sflag:s14] =	ssyncadd.s32 $0xFFFFF000  }
0x3b: {  	_ =	swait.ge [sflag:s15], $0x1000  }
0x3c: {  	[sflag:s15] =	ssyncset.done $0x0  }
0x3d: {  	s20 =	simm.s32 $0x0;
	[sflag:s15] =	ssyncadd.s32 $0xFFFFF000  }
0x3e: {  	v0 =	vld [tilespmem:s20+$0x200]  }
0x3f: {  	v4 =	vld [tilespmem:s20+$0x1200]  }
0x40: {  	v2 =	vld [tilespmem:s20+$0x210]  }
0x41: {  	v7 =	vld [tilespmem:s20+$0x1210]  }
0x42: {  	v1 =	vld [tilespmem:s20+$0x220]  }
0x43: {  	v9 =	vld [tilespmem:s20+$0x1220]  }
0x44: {  	v3 =	vld [tilespmem:s20+$0x230]  }
0x45: {  	v25 =	vld [tilespmem:s20+$0x1230]  }
0x46: {  	v12 =	vld [tilespmem:s20+$0x240]  }
0x47: {  	v26 =	vld [tilespmem:s20+$0x1240]  }
0x48: {  	v16 =	vld [tilespmem:s20+$0x250]  }
0x49: {  	v27 =	vld [tilespmem:s20+$0x1250]  }
0x4a: {  	v17 =	vld [tilespmem:s20+$0x260]  }
0x4b: {  	v28 =	vld [tilespmem:s20+$0x1260]  }
0x4c: {  	v23 =	vld [tilespmem:s20+$0x270]  }
0x4d: {  	v38 =	vld [tilespmem:s20+$0x1270]  }
0x4e: {  	v18 =	vld [tilespmem:s20+$0x280]  }
0x4f: {  	v39 =	vld [tilespmem:s20+$0x1280]  }
0x50: {  	v22 =	vld [tilespmem:s20+$0x290]  }
0x51: {  	v48 =	vld [tilespmem:s20+$0x1290]  }
0x52: {  	v20 =	vld [tilespmem:s20+$0x2A0]  }
0x53: {  	v49 =	vld [tilespmem:s20+$0x12A0]  }
0x54: {  	v21 =	vld [tilespmem:s20+$0x2B0]  }
0x55: {  	v29 =	vld [tilespmem:s20+$0x12B0]  }
0x56: {  	v19 =	vld [tilespmem:s20+$0x2C0]  }
0x57: {  	v31 =	vld [tilespmem:s20+$0x12C0]  }
0x58: {  	v15 =	vld [tilespmem:s20+$0x2D0]  }
0x59: {  	v30 =	vld [tilespmem:s20+$0x12D0]  }
0x5a: {  	v13 =	vld [tilespmem:s20+$0x2E0]  }
0x5b: {  	v33 =	vld [tilespmem:s20+$0x12E0]  }
0x5c: {  	v14 =	vld [tilespmem:s20+$0x2F0]  }
0x5d: {  	v32 =	vld [tilespmem:s20+$0x12F0]  }
0x5e: {  	v11 =	vld [tilespmem:s20+$0x300]  }
0x5f: {  	v35 =	vld [tilespmem:s20+$0x1300]  }
0x60: {  	v10 =	vld [tilespmem:s20+$0x310]  }
0x61: {  	v34 =	vld [tilespmem:s20+$0x1310]  }
0x62: {  	v8 =	vld [tilespmem:s20+$0x320]  }
0x63: {  	v36 =	vld [tilespmem:s20+$0x1320]  }
0x64: {  	v6 =	vld [tilespmem:s20+$0x330]  }
0x65: {  	v37 =	vld [tilespmem:s20+$0x1330]  }
0x66: {  	v5 =	vld [tilespmem:s20+$0x340]  }
0x67: {  	v24 =	vld [tilespmem:s20+$0x1340];
	v46 =	vsub.f32 v4, v0  }
0x68: {  	v47 =	vsub.f32 v7, v2;
	v45 =	vsub.f32 v9, v1;
	v7 =	vld [tilespmem:s20+$0x350]  }
0x69: {  	v44 =	vsub.f32 v25, v3;
	v43 =	vsub.f32 v26, v12;
	v25 =	vld [tilespmem:s20+$0x1350]  }
0x6a: {  	v42 =	vsub.f32 v27, v16;
	v40 =	vsub.f32 v28, v17;
	v4 =	vld [tilespmem:s20+$0x360]  }
0x6b: {  	v41 =	vsub.f32 v38, v23;
	v38 =	vsub.f32 v39, v18;
	v28 =	vld [tilespmem:s20+$0x1360]  }
0x6c: {  	s22 =	simm.s32 $0x800;
	s21 =	simm.s32 $0x180;
	v39 =	vsub.f32 v48, v22;
	v27 =	vsub.f32 v49, v20;
	v9 =	vld [tilespmem:s20+$0x370]  }
.LBB2_3:
0x6d: {  	p0 =	sne.s32 s22, $0x3800;
	v26 =	vld [tilespmem:s21+$0x0];
	v48 =	vsub.f32 v29, v21;
	v49 =	vsub.f32 v31, v19  }
0x6e: {  	v50 =	vsub.f32 v30, v15;
	v33 =	vsub.f32 v33, v13;
	v30 =	vld [tilespmem:s20+$0x1370]  }
0x6f: {  	v32 =	vsub.f32 v32, v14;
	v35 =	vsub.f32 v35, v11;
	v29 =	vld [tilespmem:s20+$0x380]  }
0x70: {  	s23 =	sshra.s32 s22, $0x2;
	v34 =	vsub.f32 v34, v10;
	v36 =	vsub.f32 v36, v8;
	v31 =	vld [tilespmem:s20+$0x1380]  }
0x71: {  	v37 =	vsub.f32 v37, v6;
	v52 =	vsub.f32 v24, v5;
	v51 =	vld [tilespmem:s23+$0x200]  }
0x72: {  	v55 =	vsub.f32 v25, v7;
	v24 =	vld [tilespmem:s23+$0x1200];
	v53 =	vbroadcast v26, $0x0;
	v54 =	vbroadcast v26, $0x1  }
0x73: {  	v58 =	vsub.f32 v28, v4;
	v25 =	vbroadcast v26, $0x2;
	v57 =	vbroadcast v26, $0x3;
	v56 =	vld [tilespmem:s23+$0x210]  }
0x74: {  	v28 =	vmul.f32 v46, v53;
	v46 =	vmul.f32 v47, v53;
	v47 =	vsub.f32 v30, v9;
	v30 =	vld [tilespmem:s20+$0x390]  }
0x75: {  	v45 =	vmul.f32 v45, v54;
	v44 =	vmul.f32 v44, v54;
	v53 =	vsub.f32 v31, v29;
	v54 =	vld [tilespmem:s20+$0x1390]  }
0x76: {  	v43 =	vmul.f32 v43, v25;
	v28 =	vadd.f32 v28, v0;
	v46 =	vadd.f32 v46, v2;
	v31 =	vld [tilespmem:s20+$0x3A0];
	v0 =	vmovc v51  }
0x77: {  	v42 =	vmul.f32 v42, v25;
	v45 =	vadd.f32 v45, v1;
	v3 =	vadd.f32 v44, v3;
	v44 =	vld [tilespmem:s20+$0x13A0]  }
0x78: {  	v12 =	vadd.f32 v43, v12;
	v25 =	vld [tilespmem:s23+$0x1210];
	[tilespmem:s20+$0x2200] =	vst v28;
	v28 =	vmul.f32 v40, v57;
	v40 =	vmul.f32 v41, v57  }
0x79: {  	v16 =	vadd.f32 v42, v16;
	v42 =	vbroadcast v26, $0x5;
	v41 =	vbroadcast v26, $0x4;
	v2 =	vmovc v56;
	v1 =	vld [tilespmem:s23+$0x220];
	[tilespmem:s20+$0x2210] =	vst v46  }
0x7a: {  	[tilespmem:s20+$0x2220] =	vst v45;
	v17 =	vadd.f32 v28, v17;
	v23 =	vadd.f32 v40, v23;
	v28 =	vbroadcast v26, $0x6;
	v40 =	vld [tilespmem:s20+$0x3B0]  }
0x7b: {  	[tilespmem:s20+$0x2230] =	vst v3;
	v3 =	vmul.f32 v38, v41;
	v38 =	vmul.f32 v39, v41;
	v39 =	vsub.f32 v54, v30;
	v41 =	vld [tilespmem:s20+$0x13B0]  }
0x7c: {  	[tilespmem:s20+$0x2240] =	vst v12;
	v12 =	vmul.f32 v27, v42;
	v42 =	vmul.f32 v48, v42;
	v43 =	vsub.f32 v44, v31;
	v44 =	vld [tilespmem:s20+$0x3C0]  }
0x7d: {  	[tilespmem:s20+$0x2250] =	vst v16;
	v16 =	vadd.f32 v3, v18;
	v18 =	vadd.f32 v38, v22;
	v22 =	vmul.f32 v49, v28;
	v38 =	vld [tilespmem:s20+$0x13C0]  }
0x7e: {  	v27 =	vld [tilespmem:s23+$0x1220];
	[tilespmem:s20+$0x2260] =	vst v17;
	v12 =	vadd.f32 v12, v20;
	v17 =	vadd.f32 v42, v21;
	v20 =	vmul.f32 v50, v28  }
0x7f: {  	v21 =	vbroadcast v26, $0x7;
	v3 =	vld [tilespmem:s23+$0x230];
	[tilespmem:s20+$0x2270] =	vst v23;
	v19 =	vadd.f32 v22, v19;
	v22 =	vbroadcast v26, $0x8  }
0x80: {  	v28 =	vld [tilespmem:s23+$0x1230];
	[tilespmem:s20+$0x2280] =	vst v16;
	v15 =	vadd.f32 v20, v15;
	v16 =	vbroadcast v26, $0x9;
	v20 =	vbroadcast v26, $0xA  }
0x81: {  	v23 =	vsub.f32 v41, v40;
	[tilespmem:s20+$0x2290] =	vst v18;
	v18 =	vmul.f32 v33, v21;
	v21 =	vmul.f32 v32, v21;
	v32 =	vld [tilespmem:s20+$0x3D0]  }
0x82: {  	[tilespmem:s20+$0x22A0] =	vst v12;
	v12 =	vmul.f32 v35, v22;
	v22 =	vmul.f32 v34, v22;
	v33 =	vsub.f32 v38, v44;
	v34 =	vld [tilespmem:s20+$0x13D0]  }
0x83: {  	[tilespmem:s20+$0x22B0] =	vst v17;
	v13 =	vadd.f32 v18, v13;
	v14 =	vadd.f32 v21, v14;
	v17 =	vmul.f32 v36, v16;
	v21 =	vld [tilespmem:s20+$0x3E0]  }
0x84: {  	v16 =	vmul.f32 v37, v16;
	[tilespmem:s20+$0x22C0] =	vst v19;
	v11 =	vadd.f32 v12, v11;
	v10 =	vadd.f32 v22, v10;
	v18 =	vld [tilespmem:s20+$0x13E0]  }
0x85: {  	v12 =	vld [tilespmem:s23+$0x240];
	[tilespmem:s20+$0x22D0] =	vst v15;
	v8 =	vadd.f32 v17, v8;
	v15 =	vmul.f32 v52, v20;
	v17 =	vmul.f32 v55, v20  }
0x86: {  	v19 =	vbroadcast v26, $0xC;
	v6 =	vadd.f32 v16, v6;
	v38 =	vld [tilespmem:s23+$0x1240];
	[tilespmem:s20+$0x22E0] =	vst v13;
	v13 =	vbroadcast v26, $0xB  }
0x87: {  	[tilespmem:s20+$0x22F0] =	vst v14;
	v5 =	vadd.f32 v15, v5;
	v7 =	vadd.f32 v17, v7;
	v14 =	vbroadcast v26, $0xD;
	v15 =	vld [tilespmem:s20+$0x3F0]  }
0x88: {  	v20 =	vsub.f32 v34, v32;
	[tilespmem:s20+$0x2300] =	vst v11;
	v11 =	vmul.f32 v58, v13;
	v13 =	vmul.f32 v47, v13;
	v22 =	vld [tilespmem:s20+$0x13F0]  }
0x89: {  	v16 =	vld [tilespmem:s23+$0x250];
	[tilespmem:s20+$0x2310] =	vst v10;
	v10 =	vmul.f32 v53, v19;
	v19 =	vmul.f32 v39, v19;
	v34 =	vsub.f32 v18, v21  }
0x8a: {  	v39 =	vld [tilespmem:s23+$0x1250];
	[tilespmem:s20+$0x2320] =	vst v8;
	v4 =	vadd.f32 v11, v4;
	v8 =	vadd.f32 v13, v9;
	v9 =	vmul.f32 v43, v14  }
0x8b: {  	v11 =	vmul.f32 v23, v14;
	v17 =	vld [tilespmem:s23+$0x260];
	[tilespmem:s20+$0x2330] =	vst v6;
	v6 =	vadd.f32 v10, v29;
	v10 =	vadd.f32 v19, v30  }
0x8c: {  	v13 =	vbroadcast v26, $0xF;
	v41 =	vld [tilespmem:s23+$0x1260];
	[tilespmem:s20+$0x2340] =	vst v5;
	v5 =	vadd.f32 v9, v31;
	v9 =	vbroadcast v26, $0xE  }
0x8d: {  	v23 =	vld [tilespmem:s23+$0x270];
	[tilespmem:s20+$0x2350] =	vst v7;
	v7 =	vadd.f32 v11, v40;
	v11 =	vsub.f32 v22, v15  }
0x8e: {  	v26 =	vld [tilespmem:s23+$0x1270];
	[tilespmem:s20+$0x2360] =	vst v4;
	v4 =	vmul.f32 v33, v9;
	v9 =	vmul.f32 v20, v9  }
0x8f: {  	v18 =	vld [tilespmem:s23+$0x280];
	[tilespmem:s20+$0x2370] =	vst v8;
	v8 =	vmul.f32 v34, v13;
	v11 =	vmul.f32 v11, v13  }
0x90: {  	v48 =	vld [tilespmem:s23+$0x1280];
	[tilespmem:s20+$0x2380] =	vst v6;
	v4 =	vadd.f32 v4, v44;
	v6 =	vadd.f32 v9, v32  }
0x91: {  	v22 =	vld [tilespmem:s23+$0x290];
	[tilespmem:s20+$0x2390] =	vst v10;
	v8 =	vadd.f32 v8, v21;
	v9 =	vadd.f32 v11, v15  }
0x92: {  	v49 =	vld [tilespmem:s23+$0x1290];
	[tilespmem:s20+$0x23A0] =	vst v5  }
0x93: {  	v20 =	vld [tilespmem:s23+$0x2A0];
	[tilespmem:s20+$0x23B0] =	vst v7  }
0x94: {  	v50 =	vld [tilespmem:s23+$0x12A0];
	[tilespmem:s20+$0x23C0] =	vst v4  }
0x95: {  	v21 =	vld [tilespmem:s23+$0x2B0];
	[tilespmem:s20+$0x23D0] =	vst v6  }
0x96: {  	v29 =	vld [tilespmem:s23+$0x12B0];
	[tilespmem:s20+$0x23E0] =	vst v8  }
0x97: {  	v19 =	vld [tilespmem:s23+$0x2C0];
	[tilespmem:s20+$0x23F0] =	vst v9;
	s20 =	smov.u32 s23  }
0x98: {  	v31 =	vld [tilespmem:s20+$0x12C0]  }
0x99: {  	v15 =	vld [tilespmem:s20+$0x2D0]  }
0x9a: {  	v30 =	vld [tilespmem:s20+$0x12D0]  }
0x9b: {  	v13 =	vld [tilespmem:s20+$0x2E0]  }
0x9c: {  	v33 =	vld [tilespmem:s20+$0x12E0]  }
0x9d: {  	v14 =	vld [tilespmem:s20+$0x2F0]  }
0x9e: {  	v32 =	vld [tilespmem:s20+$0x12F0]  }
0x9f: {  	v11 =	vld [tilespmem:s20+$0x300]  }
0xa0: {  	v35 =	vld [tilespmem:s20+$0x1300]  }
0xa1: {  	v10 =	vld [tilespmem:s20+$0x310]  }
0xa2: {  	v34 =	vld [tilespmem:s20+$0x1310]  }
0xa3: {  	v8 =	vld [tilespmem:s20+$0x320]  }
0xa4: {  	v36 =	vld [tilespmem:s20+$0x1320]  }
0xa5: {  	v6 =	vld [tilespmem:s20+$0x330]  }
0xa6: {  	v37 =	vld [tilespmem:s20+$0x1330]  }
0xa7: {  	v5 =	vld [tilespmem:s20+$0x340]  }
0xa8: {  	v46 =	vsub.f32 v24, v0;
	v24 =	vld [tilespmem:s20+$0x1340]  }
.Ltmp0:
0xa9: {  	v45 =	vsub.f32 v27, v1;
	v47 =	vsub.f32 v25, v2;
	v7 =	vld [tilespmem:s20+$0x350];
	(pc) =	sbr.rel @p0 .LBB2_3-.Ltmp0, $4  }
0xaa: {  	v43 =	vsub.f32 v38, v12;
	v44 =	vsub.f32 v28, v3;
	v25 =	vld [tilespmem:s20+$0x1350]  }
0xab: {  	v42 =	vsub.f32 v39, v16;
	v40 =	vsub.f32 v41, v17;
	v4 =	vld [tilespmem:s20+$0x360]  }
0xac: {  	v41 =	vsub.f32 v26, v23;
	v38 =	vsub.f32 v48, v18;
	v28 =	vld [tilespmem:s20+$0x1360]  }
0xad: {  	s22 =	sadd.s32 $0x800, s22;
	s21 =	sadd.s32 $0x10, s21;
	v39 =	vsub.f32 v49, v22;
	v27 =	vsub.f32 v50, v20;
	v9 =	vld [tilespmem:s20+$0x370]  }
0xae: {  	v26 =	vld [tilespmem:s21+$0x0];
	_ =	sdelay $0x4  }
0xaf: {  	v50 =	vbroadcast v26, $0x0  }
0xb0: {  	v52 =	vbroadcast v26, $0x1;
	v54 =	vbroadcast v26, $0x2  }
0xb1: {  	v63 =	vbroadcast v26, $0x3;
	v56 =	vbroadcast v26, $0x5  }
0xb2: {  	v58 =	vsub.f32 v29, v21;
	v46 =	vmul.f32 v46, v50;
	v47 =	vmul.f32 v47, v50  }
0xb3: {  	v60 =	vsub.f32 v31, v19;
	v45 =	vmul.f32 v45, v52;
	v44 =	vmul.f32 v44, v52  }
0xb4: {  	v61 =	vmul.f32 v43, v54;
	v42 =	vmul.f32 v42, v54;
	v0 =	vadd.f32 v46, v0  }
0xb5: {  	v52 =	vbroadcast v26, $0x4;
	v54 =	vmul.f32 v41, v63;
	v2 =	vadd.f32 v47, v2  }
0xb6: {  	v59 =	vmul.f32 v27, v56;
	v41 =	vsub.f32 v35, v11;
	v1 =	vadd.f32 v45, v1;
	[tilespmem:s20+$0x2200] =	vst v0  }
0xb7: {  	v43 =	vsub.f32 v34, v10;
	v62 =	vadd.f32 v44, v3;
	v45 =	vmul.f32 v40, v63;
	[tilespmem:s20+$0x2210] =	vst v2  }
0xb8: {  	v53 =	vld [tilespmem:s20+$0x390];
	v16 =	vadd.f32 v42, v16;
	v55 =	vmul.f32 v38, v52;
	v63 =	vsub.f32 v30, v15;
	[tilespmem:s20+$0x2220] =	vst v1  }
0xb9: {  	v50 =	vld [tilespmem:s20+$0x1390];
	v57 =	vmul.f32 v39, v52;
	v39 =	vsub.f32 v33, v13;
	v0 =	vadd.f32 v61, v12;
	[tilespmem:s20+$0x2230] =	vst v62  }
0xba: {  	v35 =	vbroadcast v26, $0xA;
	v40 =	vsub.f32 v32, v14;
	v12 =	vadd.f32 v45, v17;
	[tilespmem:s20+$0x2250] =	vst v16  }
0xbb: {  	v42 =	vbroadcast v26, $0x7;
	v44 =	vsub.f32 v36, v8;
	v17 =	vadd.f32 v55, v18;
	[tilespmem:s20+$0x2240] =	vst v0  }
0xbc: {  	v48 =	vld [tilespmem:s20+$0x1370];
	v22 =	vadd.f32 v57, v22;
	v61 =	vbroadcast v26, $0x6;
	v62 =	vadd.f32 v59, v20;
	[tilespmem:s20+$0x2260] =	vst v12  }
0xbd: {  	v49 =	vld [tilespmem:s20+$0x380];
	v45 =	vsub.f32 v37, v6;
	v52 =	vmul.f32 v39, v42;
	v16 =	vmul.f32 v40, v42;
	[tilespmem:s20+$0x2280] =	vst v17  }
0xbe: {  	v51 =	vld [tilespmem:s20+$0x1380];
	v34 =	vsub.f32 v50, v53;
	v50 =	vbroadcast v26, $0xD;
	v0 =	vadd.f32 v54, v23;
	[tilespmem:s20+$0x2290] =	vst v22  }
0xbf: {  	v27 =	vld [tilespmem:s20+$0x13D0];
	v12 =	vmul.f32 v58, v56;
	[tilespmem:s20+$0x22A0] =	vst v62;
	v17 =	vmul.f32 v63, v61;
	v57 =	vadd.f32 v52, v13  }
0xc0: {  	v46 =	vld [tilespmem:s20+$0x3A0];
	v54 =	vbroadcast v26, $0x8;
	v56 =	vsub.f32 v24, v5;
	v59 =	vadd.f32 v16, v14;
	[tilespmem:s20+$0x2270] =	vst v0  }
0xc1: {  	v1 =	vld [tilespmem:s20+$0x3B0];
	v58 =	vsub.f32 v25, v7;
	v0 =	vmul.f32 v60, v61;
	v12 =	vadd.f32 v12, v21;
	[tilespmem:s20+$0x22E0] =	vst v57  }
0xc2: {  	v2 =	vld [tilespmem:s20+$0x13B0];
	v62 =	vbroadcast v26, $0x9;
	v55 =	vadd.f32 v17, v15;
	v21 =	vmul.f32 v41, v54;
	[tilespmem:s20+$0x22F0] =	vst v59  }
0xc3: {  	v47 =	vld [tilespmem:s20+$0x13A0];
	v63 =	vsub.f32 v51, v49;
	v32 =	vmul.f32 v43, v54;
	v0 =	vadd.f32 v0, v19;
	[tilespmem:s20+$0x22B0] =	vst v12  }
0xc4: {  	v3 =	vld [tilespmem:s20+$0x3C0];
	v60 =	vsub.f32 v28, v4;
	v18 =	vmul.f32 v45, v62;
	[tilespmem:s20+$0x22D0] =	vst v55;
	v33 =	vadd.f32 v21, v11  }
0xc5: {  	v38 =	vld [tilespmem:s20+$0x13C0];
	v41 =	vbroadcast v26, $0xB;
	v12 =	vmul.f32 v44, v62;
	v39 =	vadd.f32 v32, v10;
	[tilespmem:s20+$0x22C0] =	vst v0  }
0xc6: {  	v36 =	vld [tilespmem:s20+$0x3F0];
	v61 =	vsub.f32 v48, v9;
	v19 =	vmul.f32 v58, v35;
	v43 =	vadd.f32 v18, v6;
	[tilespmem:s20+$0x2300] =	vst v33  }
0xc7: {  	v42 =	vld [tilespmem:s20+$0x13F0];
	v2 =	vsub.f32 v2, v1;
	v45 =	vmul.f32 v60, v41;
	v40 =	vadd.f32 v12, v8;
	[tilespmem:s20+$0x2310] =	vst v39  }
0xc8: {  	v22 =	vld [tilespmem:s20+$0x3E0];
	v37 =	vsub.f32 v47, v46;
	v11 =	vmul.f32 v61, v41;
	v48 =	vadd.f32 v19, v7;
	[tilespmem:s20+$0x2330] =	vst v43  }
0xc9: {  	v17 =	vld [tilespmem:s20+$0x13E0];
	v44 =	vbroadcast v26, $0xC;
	v2 =	vmul.f32 v2, v50;
	v51 =	vadd.f32 v45, v4;
	[tilespmem:s20+$0x2320] =	vst v40  }
0xca: {  	v20 =	vld [tilespmem:s20+$0x3D0];
	v47 =	vsub.f32 v38, v3;
	v0 =	vmul.f32 v56, v35;
	v55 =	vadd.f32 v11, v9;
	[tilespmem:s20+$0x2350] =	vst v48  }
0xcb: {  	v58 =	vbroadcast v26, $0xE;
	v13 =	vmul.f32 v63, v44;
	v1 =	vadd.f32 v2, v1;
	[tilespmem:s20+$0x2360] =	vst v51  }
0xcc: {  	v61 =	vbroadcast v26, $0xF;
	v54 =	vmul.f32 v34, v44;
	v0 =	vadd.f32 v0, v5;
	[tilespmem:s20+$0x2370] =	vst v55  }
0xcd: {  	v62 =	vsub.f32 v42, v36;
	v56 =	vmul.f32 v37, v50;
	v57 =	vadd.f32 v13, v49;
	[tilespmem:s20+$0x23B0] =	vst v1  }
0xce: {  	v8 =	vmul.f32 v47, v58;
	v59 =	vsub.f32 v17, v22;
	v5 =	vadd.f32 v54, v53;
	[tilespmem:s20+$0x2340] =	vst v0  }
0xcf: {  	v52 =	vsub.f32 v27, v20;
	v2 =	vmul.f32 v62, v61;
	v60 =	vadd.f32 v56, v46;
	[tilespmem:s20+$0x2380] =	vst v57  }
0xd0: {  	v3 =	vadd.f32 v8, v3;
	v4 =	vmul.f32 v59, v61;
	[tilespmem:s20+$0x2390] =	vst v5  }
0xd1: {  	v2 =	vadd.f32 v2, v36;
	v0 =	vmul.f32 v52, v58;
	[tilespmem:s20+$0x23A0] =	vst v60  }
0xd2: {  	s30 =	sshll.u32 s19, $0x5;
	[tilespmem:s20+$0x23C0] =	vst v3;
	v63 =	vadd.f32 v4, v22  }
0xd3: {  	s19 =	sadd.s32 $0x1, s19;
	s21 =	sadd.s32 s7, s30;
	[tilespmem:s20+$0x23F0] =	vst v2;
	v0 =	vadd.f32 v0, v20  }
0xd4: {  	p0 =	sne.s32 s19, $0x1A;
	s21 =	sshrl.u32 s21, $0x3;
	[tilespmem:s20+$0x23E0] =	vst v63  }
.Ltmp1:
0xd5: {  	s31 =	sadd.s32 s1, s21;
	[tilespmem:s20+$0x23D0] =	vst v0;
	(pc) =	sbr.rel @p0 .LBB2_2-.Ltmp1, $4  }
0xd6: {  	[hbm4b:s31+s16] =	stream.strided.scatter [tilespmem:s18], [sflag:$0x3], $0x1000, s17, s16, $0x38;
	[tilespmem:$0x3200] =	vst v63  }
0xd7: {  	_ =	swait.ge [sflag:s9], $0x1000  }
0xd8: {  	[sflag:s9] =	ssyncset.done $0x0  }
0xd9: {  	[sflag:s9] =	ssyncadd.s32 $0xFFFFF000  }
0xda: {  	s2 =	sadd.s32 $0x1, s2  }
0xdb: {  	p0 =	sne.s32 s2, s8  }
.Ltmp2:
0xdc: {  	_ = 	snop;
	(pc) =	sbr.rel @p0 .LBB2_1-.Ltmp2, $1  }
0xdd: {  	_ =	sdelay $0x3  }
0xde: {  	_ =	sfence.sel $0x180000  }
0xdf: {  	[bflag:$0x0] =	sbarrier.arrive $0xFFFF  }
0xe0: {  	p0 =	sne.s32 s3, $0x0;
	_ =	strace $0x90000047  }
0xe1: {  	s0 =	sadd.s32 @!p0 $0x100000, s0;
	[bflag:$0x2] =	sbarrier.arrive $0xFFFF  }
0xe2: {  	[sflag:s0] =	ssyncadd.tile.s32 @!p0 $0x1;
	_ =	shalt  }
.Lfunc_end2:
_tile_overlayer_lowered:
.L_overlay_start_2:
0xe3: {  	(tag) =	ssettag $0x2  }
0xe4: {  	s0 =	rddreg [dreg:$0x0];
	s2 =	stileid.u32  }
0xe5: {  	s1 =	rddreg [dreg:$0x1];
	p0 =	sne.s32 s2, $0x0  }
0xe6: {  	s3 =	rddreg [dreg:$0x2];
	[bflag:$0x3] =	sbarrier.arrive $0xFFFF;
	s2 =	simm.s32 @!p0 $0x1C03  }
0xe7: {  	[timem:s3], [sflag:s2] =	dma.local @!p0 [hbm:s0], s1  }
0xe8: {  	s0 =	simm.s32 @!p0 $0x3  }
0xe9: {  	_ =	swait.ge @!p0 [sflag:s0], s1  }
0xea: {  	s1 =	ssub.s32 @!p0 $0x0, s1;
	[sflag:s0] =	ssyncset.done @!p0 $0x0  }
0xeb: {  	[sflag:s0] =	ssyncadd.s32 @!p0 s1  }
0xec: {  	[bflag:$0x3] =	sbarrier.arrive $0xFFFF  }
0xed: {  	_ =	shalt  }

</sc_bundles>
